<compile_context>
chip_gen: v7x
topology: tpu7x:2x2x1
jax: 0.10.2.dev20260603
libtpu: 0.0.44.dev20260713+nightly
codegen_flags: <defaults>
</compile_context>

<pallas_src>
import functools

import jax
import jax.numpy as jnp
from jax.experimental import pallas as pl
from jax.experimental.pallas import tpu as pltpu
from jax.experimental.pallas import tpu_sc as plsc

B, S, D, H, FF, E, K = 1, 2048, 768, 12, 3072, 8, 2
DH = D // H

BLK = 128
PAD = S * K + E * BLK
NB = PAD // BLK
BSQ = 512
BQ = 1024

_NC, _NS = 2, 16
_NW = _NC * _NS



def _qkv_body(x_ref, wq_ref, wk_ref, wv_ref, bq_ref, bk_ref, bv_ref,
              q_ref, k_ref, v_ref):
    x = x_ref[...]
    q = jnp.dot(x, wq_ref[...], preferred_element_type=jnp.float32)
    q_ref[...] = (q + bq_ref[...]) * 0.125
    k_ref[...] = jnp.dot(x, wk_ref[...], preferred_element_type=jnp.float32) + bk_ref[...]
    v_ref[...] = jnp.dot(x, wv_ref[...], preferred_element_type=jnp.float32) + bv_ref[...]


def _qkv_call(x, Wq, bq, Wk, bk, Wv, bv):
    f = jax.ShapeDtypeStruct((S, D), jnp.float32)
    wspec = pl.BlockSpec((D, D), lambda i: (0, 0))
    bspec = pl.BlockSpec((1, D), lambda i: (0, 0))
    xspec = pl.BlockSpec((BSQ, D), lambda i: (i, 0))
    return pl.pallas_call(
        _qkv_body,
        grid=(S // BSQ,),
        in_specs=[xspec, wspec, wspec, wspec, bspec, bspec, bspec],
        out_specs=[xspec, xspec, xspec],
        out_shape=[f, f, f],
    )(x, Wq, Wk, Wv, bq.reshape(1, D), bk.reshape(1, D), bv.reshape(1, D))


def _attn_one(q, k, v):
    s = jax.lax.dot_general(q, k, (((1,), (1,)), ((), ())),
                            preferred_element_type=jnp.float32)
    m = jnp.max(s, axis=-1, keepdims=True)
    p = jnp.exp(s - m)
    rinv = 1.0 / jnp.sum(p, axis=-1, keepdims=True)
    return jnp.dot(p, v, preferred_element_type=jnp.float32) * rinv


def _attn_body(xr_ref, xf_ref, wq_ref, wk_ref, wv_ref, bq_ref, bk_ref,
               bv_ref, o_ref, k_scr, v_scr):
    @pl.when(pl.program_id(1) == 0)
    def _():
        xf = xf_ref[...]
        k_scr[...] = jnp.dot(xf, wk_ref[...],
                             preferred_element_type=jnp.float32) + bk_ref[...]
        v_scr[...] = jnp.dot(xf, wv_ref[...],
                             preferred_element_type=jnp.float32) + bv_ref[...]

    q = (jnp.dot(xr_ref[...], wq_ref[...],
                 preferred_element_type=jnp.float32) + bq_ref[...]) * 0.125
    k = k_scr[...]
    v = v_scr[...]
    oa = _attn_one(q[:, :DH], k[:, :DH], v[:, :DH])
    ob = _attn_one(q[:, DH:], k[:, DH:], v[:, DH:])
    o_ref[...] = jnp.concatenate([oa, ob], axis=1)


def _attn_call(x, Wq, bq, Wk, bk, Wv, bv):
    wcol = pl.BlockSpec((D, 2 * DH), lambda h, i: (0, h))
    bcol = pl.BlockSpec((1, 2 * DH), lambda h, i: (0, h))
    return pl.pallas_call(
        _attn_body,
        grid=(H // 2, S // BQ),
        in_specs=[
            pl.BlockSpec((BQ, D), lambda h, i: (i, 0)),
            pl.BlockSpec((S, D), lambda h, i: (0, 0)),
            wcol, wcol, wcol, bcol, bcol, bcol,
        ],
        out_specs=pl.BlockSpec((BQ, 2 * DH), lambda h, i: (i, h)),
        out_shape=jax.ShapeDtypeStruct((S, D), jnp.float32),
        scratch_shapes=[pltpu.VMEM((S, 2 * DH), jnp.float32),
                        pltpu.VMEM((S, 2 * DH), jnp.float32)],
    )(x, x, Wq, Wk, Wv, bq.reshape(1, D), bk.reshape(1, D),
      bv.reshape(1, D))


def _ln(y, g, b):
    mu = jnp.mean(y, axis=-1, keepdims=True)
    var = jnp.mean((y - mu) ** 2, axis=-1, keepdims=True)
    return (y - mu) / jnp.sqrt(var + 1e-12) * g + b


def _post_body(ctx_ref, x_ref, wo_ref, bo_ref, g1_ref, b1_ref, g2_ref, b2_ref,
               wr_ref, attn_ref, t_ref, logits_ref, w1_ref, w2_ref,
               i1_ref, i2_ref):
    y = jnp.dot(ctx_ref[...], wo_ref[...], preferred_element_type=jnp.float32)
    y = y + bo_ref[...] + x_ref[...]
    a = _ln(y, g1_ref[...], b1_ref[...])
    attn_ref[...] = a
    t = _ln(a, g2_ref[...], b2_ref[...])
    t_ref[...] = t.astype(jnp.bfloat16)
    logits = jnp.dot(t, wr_ref[...], preferred_element_type=jnp.float32)
    logits_ref[...] = logits
    lm = jnp.max(logits, axis=-1, keepdims=True)
    ex = jnp.exp(logits - lm)
    probs = ex / jnp.sum(ex, axis=-1, keepdims=True)
    iota = jax.lax.broadcasted_iota(jnp.int32, probs.shape, 1)
    p1 = jnp.max(probs, axis=-1, keepdims=True)
    i1 = jnp.min(jnp.where(probs == p1, iota, E), axis=-1, keepdims=True)
    masked = jnp.where(iota == i1, -1.0, probs)
    p2 = jnp.max(masked, axis=-1, keepdims=True)
    i2 = jnp.min(jnp.where(masked == p2, iota, E), axis=-1, keepdims=True)
    tot = p1 + p2
    w1_ref[...] = p1 / tot
    w2_ref[...] = p2 / tot
    i1_ref[...] = i1
    i2_ref[...] = i2


def _post_call(ctx, x, Wo, bo, g1, b1, g2, b2, Wr):
    row = pl.BlockSpec((BSQ, D), lambda i: (i, 0))
    vec = pl.BlockSpec((1, D), lambda i: (0, 0))
    return pl.pallas_call(
        _post_body,
        grid=(S // BSQ,),
        in_specs=[row, row,
                  pl.BlockSpec((D, D), lambda i: (0, 0)), vec,
                  vec, vec, vec, vec,
                  pl.BlockSpec((D, E), lambda i: (0, 0))],
        out_specs=[row,
                   pl.BlockSpec((BSQ, D), lambda i: (i, 0)),
                   pl.BlockSpec((BSQ, E), lambda i: (i, 0)),
                   pl.BlockSpec((BSQ, 1), lambda i: (i, 0)),
                   pl.BlockSpec((BSQ, 1), lambda i: (i, 0)),
                   pl.BlockSpec((BSQ, 1), lambda i: (i, 0)),
                   pl.BlockSpec((BSQ, 1), lambda i: (i, 0))],
        out_shape=[jax.ShapeDtypeStruct((S, D), jnp.float32),
                   jax.ShapeDtypeStruct((S, D), jnp.bfloat16),
                   jax.ShapeDtypeStruct((S, E), jnp.float32),
                   jax.ShapeDtypeStruct((S, 1), jnp.float32),
                   jax.ShapeDtypeStruct((S, 1), jnp.float32),
                   jax.ShapeDtypeStruct((S, 1), jnp.int32),
                   jax.ShapeDtypeStruct((S, 1), jnp.int32)],
    )(ctx, x, Wo, bo.reshape(1, D), g1.reshape(1, D), b1.reshape(1, D),
      g2.reshape(1, D), b2.reshape(1, D), Wr)


def _gemm_body(be_ref, dp_ref, t_ref, wup_ref, bup_ref, wg_ref, bg_ref,
               wd_ref, bd_ref, o_ref):
    b = pl.program_id(0)
    prow = jax.lax.broadcasted_iota(jnp.int32, (BLK, S), 0) + b * BLK
    oh = ((prow == dp_ref[0:1, :]) | (prow == dp_ref[1:2, :])
          ).astype(jnp.bfloat16)
    tb = jnp.dot(oh, t_ref[...], preferred_element_type=jnp.float32)
    up = jnp.dot(tb, wup_ref[0], preferred_element_type=jnp.float32) + bup_ref[0]
    gate = jnp.dot(tb, wg_ref[0], preferred_element_type=jnp.float32) + bg_ref[0]
    h = 0.5 * up * (1.0 + jax.lax.erf(up * (2.0 ** -0.5))) * gate
    o = (jnp.dot(h.astype(jnp.bfloat16), wd_ref[0],
                 preferred_element_type=jnp.float32) + bd_ref[0])
    o_ref[...] = _pack_pair(o[:, :HD], o[:, HD:])


def _moe_gemm_call(block_expert, dpT, t, Wup, bup, Wg, bg, Wd, bd):
    grid_spec = pltpu.PrefetchScalarGridSpec(
        num_scalar_prefetch=1,
        grid=(NB,),
        in_specs=[
            pl.BlockSpec((K, S), lambda b, be: (0, 0)),
            pl.BlockSpec((S, D), lambda b, be: (0, 0)),
            pl.BlockSpec((1, D, FF), lambda b, be: (be[b], 0, 0)),
            pl.BlockSpec((1, 1, FF), lambda b, be: (be[b], 0, 0)),
            pl.BlockSpec((1, D, FF), lambda b, be: (be[b], 0, 0)),
            pl.BlockSpec((1, 1, FF), lambda b, be: (be[b], 0, 0)),
            pl.BlockSpec((1, FF, D), lambda b, be: (be[b], 0, 0)),
            pl.BlockSpec((1, 1, D), lambda b, be: (be[b], 0, 0)),
        ],
        out_specs=pl.BlockSpec((BLK, HD), lambda b, be: (b, 0)),
    )
    return pl.pallas_call(
        _gemm_body,
        grid_spec=grid_spec,
        out_shape=jax.ShapeDtypeStruct((PAD, HD), jnp.float32),
        compiler_params=pltpu.CompilerParams(vmem_limit_bytes=67108864),
    )(block_expert, dpT, t, Wup, bup.reshape(E, 1, FF), Wg,
      bg.reshape(E, 1, FF), Wd, bd.reshape(E, 1, D))


def _combine_body(attn_ref, g_ref, w1_ref, w2_ref, o_ref):
    g = g_ref[...]
    g0lo, g0hi = _unpack_pair(g[:, :HD])
    g1lo, g1hi = _unpack_pair(g[:, HD:])
    g0 = jnp.concatenate([g0lo, g0hi], axis=1)
    g1 = jnp.concatenate([g1lo, g1hi], axis=1)
    o_ref[...] = attn_ref[...] + w1_ref[...] * g0 + w2_ref[...] * g1


def _combine_call(attn, g2d, w1, w2):
    row = pl.BlockSpec((BSQ, D), lambda i: (i, 0))
    return pl.pallas_call(
        _combine_body,
        grid=(S // BSQ,),
        in_specs=[row,
                  pl.BlockSpec((BSQ, D), lambda i: (i, 0)),
                  pl.BlockSpec((BSQ, 1), lambda i: (i, 0)),
                  pl.BlockSpec((BSQ, 1), lambda i: (i, 0))],
        out_specs=row,
        out_shape=jax.ShapeDtypeStruct((S, D), jnp.float32),
    )(attn, g2d, w1, w2)



def _gather_rows(table, idx, n_chunks=4):
    n_rows = idx.shape[0]
    d = table.shape[1]
    b_per_w = n_rows // _NW
    c_rows = b_per_w // n_chunks
    mesh = plsc.VectorSubcoreMesh(core_axis_name="c", subcore_axis_name="s")

    @functools.partial(
        pl.kernel, mesh=mesh,
        out_type=jax.ShapeDtypeStruct((n_rows, d), table.dtype),
        scratch_types=[pltpu.VMEM((b_per_w,), jnp.int32),
                       pltpu.VMEM((c_rows, d), table.dtype),
                       pltpu.VMEM((c_rows, d), table.dtype),
                       pltpu.SemaphoreType.DMA,
                       pltpu.SemaphoreType.DMA],
    )
    def k(table_hbm, idx_hbm, out_hbm, idx_v, buf0, buf1, sem0, sem1):
        wid = jax.lax.axis_index("s") * _NC + jax.lax.axis_index("c")
        base = wid * b_per_w
        pltpu.sync_copy(idx_hbm.at[pl.ds(base, b_per_w)], idx_v)
        bufs, sems = (buf0, buf1), (sem0, sem1)
        handles = [None] * n_chunks

        def start(c):
            return pltpu.async_copy(
                table_hbm.at[idx_v.at[pl.ds(c * c_rows, c_rows)]],
                bufs[c % 2], sems[c % 2])

        handles[0] = start(0)
        for c in range(n_chunks):
            if c + 1 < n_chunks:
                handles[c + 1] = start(c + 1)
            handles[c].wait()
            pltpu.sync_copy(bufs[c % 2],
                            out_hbm.at[pl.ds(base + c * c_rows, c_rows)])

    return k(table, idx)


HD = D // 2


def _bf16_bits(x):
    u = jax.lax.bitcast_convert_type(x, jnp.uint32)
    return (u + jnp.uint32(0x7FFF) + ((u >> 16) & jnp.uint32(1))) >> 16


def _pack_pair(lo, hi):
    w = _bf16_bits(lo) | (_bf16_bits(hi) << 16)
    return jax.lax.bitcast_convert_type(w, jnp.float32)


def _unpack_pair(p):
    u = jax.lax.bitcast_convert_type(p, jnp.uint32)
    lo = jax.lax.bitcast_convert_type(u << 16, jnp.float32)
    hi = jax.lax.bitcast_convert_type(u & jnp.uint32(0xFFFF0000), jnp.float32)
    return lo, hi



def kernel(hidden_states, Wq, bq, Wk, bk, Wv, bv, Wo, bo, ln1_g, ln1_b,
           ln2_g, ln2_b, Wr, W_up, b_up, W_gate, b_gate, W_down, b_down):
    x = hidden_states.reshape(S, D)
    ctx = _attn_call(x, Wq, bq, Wk, bk, Wv, bv)
    attn_out, t, logits, w1, w2, i1, i2 = _post_call(
        ctx, x, Wo, bo, ln1_g, ln1_b, ln2_g, ln2_b, Wr)

    e_flat = jnp.concatenate([i1, i2], axis=1).reshape(S * K)
    onehot = (e_flat[:, None] == jnp.arange(E)[None, :]).astype(jnp.int32)
    csum = jnp.cumsum(onehot, axis=0)
    counts = csum[-1]
    rank = jnp.sum(onehot * csum, axis=1) - 1
    padded = ((counts + BLK - 1) // BLK) * BLK
    pstart = jnp.concatenate([jnp.zeros((1,), jnp.int32),
                              jnp.cumsum(padded)[:-1].astype(jnp.int32)])
    dp = jnp.sum(onehot * pstart[None, :], axis=1) + rank
    block_expert = (jnp.sum(
        (pstart[None, :] <= (jnp.arange(NB, dtype=jnp.int32) * BLK)[:, None]
         ).astype(jnp.int32), axis=1) - 1).astype(jnp.int32)

    moe_sorted = _moe_gemm_call(
        block_expert, dp.reshape(S, K).T, t,
        W_up, b_up, W_gate, b_gate,
        W_down.astype(jnp.bfloat16), b_down)

    g = _gather_rows(moe_sorted, dp)
    out = _combine_call(attn_out, g.reshape(S, K * HD), w1, w2)
    return out.reshape(B, S, D), logits

# --- scband reference (transcript-rebuilt; emitter-appended) ---
"""Pipeline reference for scband-bert-encoder-26714696581658 (READ-ONLY COPY).

The authoritative reference and input builder live on the scoring server;
editing this copy changes nothing except your own understanding.
"""

import jax, jax.numpy as jnp
import numpy as np

B, S, D, H, FF, E, K = 1, 2048, 768, 12, 3072, 8, 2
DH = D // H

def layer_norm(x, g, b, eps=1e-12):
    mu = jnp.mean(x, axis=-1, keepdims=True)
    var = jnp.var(x, axis=-1, keepdims=True)
    return (x - mu) / jnp.sqrt(var + eps) * g + b

def setup_inputs(seed: int = 0):
    key = jax.random.key(seed)
    ks = jax.random.split(key, 16)
    def p(k, shape):
        return jax.random.normal(k, shape, dtype=jnp.float32) * 0.02
    return {
        "hidden_states": jax.random.normal(ks[0], (B, S, D), dtype=jnp.float32),
        "Wq": p(ks[1], (D, D)), "bq": jnp.zeros((D,), jnp.float32),
        "Wk": p(ks[2], (D, D)), "bk": jnp.zeros((D,), jnp.float32),
        "Wv": p(ks[3], (D, D)), "bv": jnp.zeros((D,), jnp.float32),
        "Wo": p(ks[4], (D, D)), "bo": jnp.zeros((D,), jnp.float32),
        "ln1_g": jnp.ones((D,), jnp.float32), "ln1_b": jnp.zeros((D,), jnp.float32),
        "ln2_g": jnp.ones((D,), jnp.float32), "ln2_b": jnp.zeros((D,), jnp.float32),
        "Wr": p(ks[5], (D, E)),
        "W_up": p(ks[6], (E, D, FF)), "b_up": jnp.zeros((E, FF), jnp.float32),
        "W_gate": p(ks[7], (E, D, FF)), "b_gate": jnp.zeros((E, FF), jnp.float32),
        "W_down": p(ks[8], (E, FF, D)), "b_down": jnp.zeros((E, D), jnp.float32),
    }

def reference(hidden_states, Wq, bq, Wk, bk, Wv, bv, Wo, bo, ln1_g, ln1_b, ln2_g, ln2_b, Wr, W_up, b_up, W_gate, b_gate, W_down, b_down):
    x = hidden_states
    q = (x @ Wq + bq).reshape(B, S, H, DH).transpose(0, 2, 1, 3)
    k = (x @ Wk + bk).reshape(B, S, H, DH).transpose(0, 2, 1, 3)
    v = (x @ Wv + bv).reshape(B, S, H, DH).transpose(0, 2, 1, 3)
    scores = jnp.einsum('bhqd,bhkd->bhqk', q, k) / jnp.sqrt(jnp.float32(DH))
    att = jax.nn.softmax(scores, axis=-1)
    ctx = jnp.einsum('bhqk,bhkd->bhqd', att, v).transpose(0, 2, 1, 3).reshape(B, S, D)
    attn_out = layer_norm(ctx @ Wo + bo + x, ln1_g, ln1_b)
    ln_out = layer_norm(attn_out, ln2_g, ln2_b)
    t = ln_out.reshape(B * S, D)
    router_logits = t @ Wr
    probs = jax.nn.softmax(router_logits, axis=-1)
    topv, topi = jax.lax.top_k(probs, K)
    topv = topv / jnp.sum(topv, axis=-1, keepdims=True)
    combine = jnp.zeros((B * S, E), dtype=t.dtype)
    for kk in range(K):
        combine = combine + topv[:, kk:kk + 1] * jax.nn.one_hot(topi[:, kk], E, dtype=t.dtype)
    moe_out = jnp.zeros((B * S, D), dtype=t.dtype)
    for e in range(E):
        h = jax.nn.gelu(t @ W_up[e] + b_up[e], approximate=False) * (t @ W_gate[e] + b_gate[e])
        moe_out = moe_out + (h @ W_down[e] + b_down[e]) * combine[:, e:e + 1]
    out = moe_out.reshape(B, S, D) + attn_out
    return out, router_logits

if __name__ == "__main__":
    import jax
    _d = setup_inputs()
    print(jax.jit(kernel)(*tuple(_d.values())))

</pallas_src>

<mosaic_0001>
#map = affine_map<(d0, d1) -> (0, 0)>
#map1 = affine_map<(d0, d1) -> (0)>
module attributes {stable_mosaic.version = 14 : i64} {
  func.func @k(%arg0: i32, %arg1: i32, %arg2: memref<5120x384xf32, #tpu.memory_space<hbm>>, %arg3: memref<4096xi32, #tpu.memory_space<hbm>>, %arg4: memref<4096x384xf32, #tpu.memory_space<hbm>>, %arg5: memref<128xi32, #tpu.memory_space<vmem>>, %arg6: memref<32x384xf32, #tpu.memory_space<vmem>>, %arg7: memref<32x384xf32, #tpu.memory_space<vmem>>, %arg8: memref<!tpu.dma_semaphore, #tpu.memory_space<semaphore_mem>>, %arg9: memref<!tpu.dma_semaphore, #tpu.memory_space<semaphore_mem>>) attributes {dimension_semantics = [#tpu.dimension_semantics<core_parallel>, #tpu.dimension_semantics<subcore_parallel>], iteration_bounds = array<i64: 2, 16>, scalar_prefetch = 0 : i64, scratch_operands = 5 : i64, tpu.core_type = #tpu.core_type<sc_vector_subcore>, window_params = [{transform_indices = #map}, {transform_indices = #map1}, {transform_indices = #map}]} {
    %mul3A = arith.constant 2 : i32
    %mul3A_0 = arith.muli %arg1, %mul3A : i32
    %add3A = arith.addi %mul3A_0, %arg0 : i32
    %mul3A_1 = arith.constant 128 : i32
    %mul3A_2 = arith.muli %add3A, %mul3A_1 : i32
    "tpu.region"() ({
      %run_scoped3A = tpu.sem_alloc : memref<!tpu.dma_semaphore, #tpu.memory_space<semaphore_mem>>
      %dma_start3A_49 = tpu.memref_slice %arg3[%mul3A_2] : memref<4096xi32, #tpu.memory_space<hbm>> -> memref<128xi32, #tpu.memory_space<hbm>>
      %dma_start3A_50 = tpu.memref_slice %arg3[%mul3A_2] : memref<4096xi32, #tpu.memory_space<hbm>> -> memref<128xi32, #tpu.memory_space<hbm>>
      tpu.enqueue_dma source(%dma_start3A_50 : memref<128xi32, #tpu.memory_space<hbm>>) target(%arg5 : memref<128xi32, #tpu.memory_space<vmem>>) target_semaphore(%run_scoped3A : memref<!tpu.dma_semaphore, #tpu.memory_space<semaphore_mem>>)
      %dma_wait3A_51 = tpu.memref_slice %arg3[%mul3A_2] : memref<4096xi32, #tpu.memory_space<hbm>> -> memref<128xi32, #tpu.memory_space<hbm>>
      %dma_wait3A_52 = tpu.memref_slice %arg3[%mul3A_2] : memref<4096xi32, #tpu.memory_space<hbm>> -> memref<128xi32, #tpu.memory_space<hbm>>
      tpu.wait_dma2 semaphore(%run_scoped3A : memref<!tpu.dma_semaphore, #tpu.memory_space<semaphore_mem>>) src(%dma_wait3A_52 : memref<128xi32, #tpu.memory_space<hbm>>) dst(%arg5 : memref<128xi32, #tpu.memory_space<vmem>>)
      tpu.yield
    }) : () -> ()
    %dma_start3A = arith.constant 0 : i32
    %dma_start3A_3 = tpu.memref_slice %arg5[%dma_start3A] : memref<128xi32, #tpu.memory_space<vmem>> -> memref<32xi32, #tpu.memory_space<vmem>>
    %dma_start3A_4 = arith.constant 0 : i32
    %dma_start3A_5 = arith.constant 0 : i32
    %dma_start3A_6 = tpu.memref_slice %arg2[%dma_start3A_4, %dma_start3A_5] : memref<5120x384xf32, #tpu.memory_space<hbm>> -> memref<5120x384xf32, #tpu.memory_space<hbm>>
    tpu.enqueue_indirect_dma source(%dma_start3A_6 : memref<5120x384xf32, #tpu.memory_space<hbm>>) target(%arg6 : memref<32x384xf32, #tpu.memory_space<vmem>>) offsets(%dma_start3A_3 : memref<32xi32, #tpu.memory_space<vmem>>) semaphore(%arg8 : memref<!tpu.dma_semaphore, #tpu.memory_space<semaphore_mem>>)
    %dma_start3A_7 = arith.constant 32 : i32
    %dma_start3A_8 = tpu.memref_slice %arg5[%dma_start3A_7] : memref<128xi32, #tpu.memory_space<vmem>> -> memref<32xi32, #tpu.memory_space<vmem>>
    %dma_start3A_9 = arith.constant 0 : i32
    %dma_start3A_10 = arith.constant 0 : i32
    %dma_start3A_11 = tpu.memref_slice %arg2[%dma_start3A_9, %dma_start3A_10] : memref<5120x384xf32, #tpu.memory_space<hbm>> -> memref<5120x384xf32, #tpu.memory_space<hbm>>
    tpu.enqueue_indirect_dma source(%dma_start3A_11 : memref<5120x384xf32, #tpu.memory_space<hbm>>) target(%arg7 : memref<32x384xf32, #tpu.memory_space<vmem>>) offsets(%dma_start3A_8 : memref<32xi32, #tpu.memory_space<vmem>>) semaphore(%arg9 : memref<!tpu.dma_semaphore, #tpu.memory_space<semaphore_mem>>)
    %dma_wait3A = arith.constant 0 : i32
    %dma_wait3A_12 = tpu.memref_slice %arg5[%dma_wait3A] : memref<128xi32, #tpu.memory_space<vmem>> -> memref<32xi32, #tpu.memory_space<vmem>>
    %dma_wait3A_13 = arith.constant 0 : i32
    %dma_wait3A_14 = arith.constant 0 : i32
    %dma_wait3A_15 = tpu.memref_slice %arg2[%dma_wait3A_13, %dma_wait3A_14] : memref<5120x384xf32, #tpu.memory_space<hbm>> -> memref<5120x384xf32, #tpu.memory_space<hbm>>
    tpu.wait_indirect_dma semaphore(%arg8 : memref<!tpu.dma_semaphore, #tpu.memory_space<semaphore_mem>>) src(%dma_wait3A_15 : memref<5120x384xf32, #tpu.memory_space<hbm>>) dst(%arg6 : memref<32x384xf32, #tpu.memory_space<vmem>>)
    %add3A_16 = arith.constant 0 : i32
    %add3A_17 = arith.addi %mul3A_2, %add3A_16 : i32
    "tpu.region"() ({
      %run_scoped3A = tpu.sem_alloc : memref<!tpu.dma_semaphore, #tpu.memory_space<semaphore_mem>>
      %dma_start3A_49 = arith.constant 0 : i32
      %dma_start3A_50 = tpu.memref_slice %arg4[%add3A_17, %dma_start3A_49] : memref<4096x384xf32, #tpu.memory_space<hbm>> -> memref<32x384xf32, #tpu.memory_space<hbm>>
      %dma_start3A_51 = arith.constant 0 : i32
      %dma_start3A_52 = tpu.memref_slice %arg4[%add3A_17, %dma_start3A_51] : memref<4096x384xf32, #tpu.memory_space<hbm>> -> memref<32x384xf32, #tpu.memory_space<hbm>>
      tpu.enqueue_dma source(%arg6 : memref<32x384xf32, #tpu.memory_space<vmem>>) target(%dma_start3A_52 : memref<32x384xf32, #tpu.memory_space<hbm>>) target_semaphore(%run_scoped3A : memref<!tpu.dma_semaphore, #tpu.memory_space<semaphore_mem>>)
      %dma_wait3A_53 = arith.constant 0 : i32
      %dma_wait3A_54 = tpu.memref_slice %arg4[%add3A_17, %dma_wait3A_53] : memref<4096x384xf32, #tpu.memory_space<hbm>> -> memref<32x384xf32, #tpu.memory_space<hbm>>
      %dma_wait3A_55 = arith.constant 0 : i32
      %dma_wait3A_56 = tpu.memref_slice %arg4[%add3A_17, %dma_wait3A_55] : memref<4096x384xf32, #tpu.memory_space<hbm>> -> memref<32x384xf32, #tpu.memory_space<hbm>>
      tpu.wait_dma2 semaphore(%run_scoped3A : memref<!tpu.dma_semaphore, #tpu.memory_space<semaphore_mem>>) src(%arg6 : memref<32x384xf32, #tpu.memory_space<vmem>>) dst(%dma_wait3A_56 : memref<32x384xf32, #tpu.memory_space<hbm>>)
      tpu.yield
    }) : () -> ()
    %dma_start3A_18 = arith.constant 64 : i32
    %dma_start3A_19 = tpu.memref_slice %arg5[%dma_start3A_18] : memref<128xi32, #tpu.memory_space<vmem>> -> memref<32xi32, #tpu.memory_space<vmem>>
    %dma_start3A_20 = arith.constant 0 : i32
    %dma_start3A_21 = arith.constant 0 : i32
    %dma_start3A_22 = tpu.memref_slice %arg2[%dma_start3A_20, %dma_start3A_21] : memref<5120x384xf32, #tpu.memory_space<hbm>> -> memref<5120x384xf32, #tpu.memory_space<hbm>>
    tpu.enqueue_indirect_dma source(%dma_start3A_22 : memref<5120x384xf32, #tpu.memory_space<hbm>>) target(%arg6 : memref<32x384xf32, #tpu.memory_space<vmem>>) offsets(%dma_start3A_19 : memref<32xi32, #tpu.memory_space<vmem>>) semaphore(%arg8 : memref<!tpu.dma_semaphore, #tpu.memory_space<semaphore_mem>>)
    %dma_wait3A_23 = arith.constant 32 : i32
    %dma_wait3A_24 = tpu.memref_slice %arg5[%dma_wait3A_23] : memref<128xi32, #tpu.memory_space<vmem>> -> memref<32xi32, #tpu.memory_space<vmem>>
    %dma_wait3A_25 = arith.constant 0 : i32
    %dma_wait3A_26 = arith.constant 0 : i32
    %dma_wait3A_27 = tpu.memref_slice %arg2[%dma_wait3A_25, %dma_wait3A_26] : memref<5120x384xf32, #tpu.memory_space<hbm>> -> memref<5120x384xf32, #tpu.memory_space<hbm>>
    tpu.wait_indirect_dma semaphore(%arg9 : memref<!tpu.dma_semaphore, #tpu.memory_space<semaphore_mem>>) src(%dma_wait3A_27 : memref<5120x384xf32, #tpu.memory_space<hbm>>) dst(%arg7 : memref<32x384xf32, #tpu.memory_space<vmem>>)
    %add3A_28 = arith.constant 32 : i32
    %add3A_29 = arith.addi %mul3A_2, %add3A_28 : i32
    "tpu.region"() ({
      %run_scoped3A = tpu.sem_alloc : memref<!tpu.dma_semaphore, #tpu.memory_space<semaphore_mem>>
      %dma_start3A_49 = arith.constant 0 : i32
      %dma_start3A_50 = tpu.memref_slice %arg4[%add3A_29, %dma_start3A_49] : memref<4096x384xf32, #tpu.memory_space<hbm>> -> memref<32x384xf32, #tpu.memory_space<hbm>>
      %dma_start3A_51 = arith.constant 0 : i32
      %dma_start3A_52 = tpu.memref_slice %arg4[%add3A_29, %dma_start3A_51] : memref<4096x384xf32, #tpu.memory_space<hbm>> -> memref<32x384xf32, #tpu.memory_space<hbm>>
      tpu.enqueue_dma source(%arg7 : memref<32x384xf32, #tpu.memory_space<vmem>>) target(%dma_start3A_52 : memref<32x384xf32, #tpu.memory_space<hbm>>) target_semaphore(%run_scoped3A : memref<!tpu.dma_semaphore, #tpu.memory_space<semaphore_mem>>)
      %dma_wait3A_53 = arith.constant 0 : i32
      %dma_wait3A_54 = tpu.memref_slice %arg4[%add3A_29, %dma_wait3A_53] : memref<4096x384xf32, #tpu.memory_space<hbm>> -> memref<32x384xf32, #tpu.memory_space<hbm>>
      %dma_wait3A_55 = arith.constant 0 : i32
      %dma_wait3A_56 = tpu.memref_slice %arg4[%add3A_29, %dma_wait3A_55] : memref<4096x384xf32, #tpu.memory_space<hbm>> -> memref<32x384xf32, #tpu.memory_space<hbm>>
      tpu.wait_dma2 semaphore(%run_scoped3A : memref<!tpu.dma_semaphore, #tpu.memory_space<semaphore_mem>>) src(%arg7 : memref<32x384xf32, #tpu.memory_space<vmem>>) dst(%dma_wait3A_56 : memref<32x384xf32, #tpu.memory_space<hbm>>)
      tpu.yield
    }) : () -> ()
    %dma_start3A_30 = arith.constant 96 : i32
    %dma_start3A_31 = tpu.memref_slice %arg5[%dma_start3A_30] : memref<128xi32, #tpu.memory_space<vmem>> -> memref<32xi32, #tpu.memory_space<vmem>>
    %dma_start3A_32 = arith.constant 0 : i32
    %dma_start3A_33 = arith.constant 0 : i32
    %dma_start3A_34 = tpu.memref_slice %arg2[%dma_start3A_32, %dma_start3A_33] : memref<5120x384xf32, #tpu.memory_space<hbm>> -> memref<5120x384xf32, #tpu.memory_space<hbm>>
    tpu.enqueue_indirect_dma source(%dma_start3A_34 : memref<5120x384xf32, #tpu.memory_space<hbm>>) target(%arg7 : memref<32x384xf32, #tpu.memory_space<vmem>>) offsets(%dma_start3A_31 : memref<32xi32, #tpu.memory_space<vmem>>) semaphore(%arg9 : memref<!tpu.dma_semaphore, #tpu.memory_space<semaphore_mem>>)
    %dma_wait3A_35 = arith.constant 64 : i32
    %dma_wait3A_36 = tpu.memref_slice %arg5[%dma_wait3A_35] : memref<128xi32, #tpu.memory_space<vmem>> -> memref<32xi32, #tpu.memory_space<vmem>>
    %dma_wait3A_37 = arith.constant 0 : i32
    %dma_wait3A_38 = arith.constant 0 : i32
    %dma_wait3A_39 = tpu.memref_slice %arg2[%dma_wait3A_37, %dma_wait3A_38] : memref<5120x384xf32, #tpu.memory_space<hbm>> -> memref<5120x384xf32, #tpu.memory_space<hbm>>
    tpu.wait_indirect_dma semaphore(%arg8 : memref<!tpu.dma_semaphore, #tpu.memory_space<semaphore_mem>>) src(%dma_wait3A_39 : memref<5120x384xf32, #tpu.memory_space<hbm>>) dst(%arg6 : memref<32x384xf32, #tpu.memory_space<vmem>>)
    %add3A_40 = arith.constant 64 : i32
    %add3A_41 = arith.addi %mul3A_2, %add3A_40 : i32
    "tpu.region"() ({
      %run_scoped3A = tpu.sem_alloc : memref<!tpu.dma_semaphore, #tpu.memory_space<semaphore_mem>>
      %dma_start3A_49 = arith.constant 0 : i32
      %dma_start3A_50 = tpu.memref_slice %arg4[%add3A_41, %dma_start3A_49] : memref<4096x384xf32, #tpu.memory_space<hbm>> -> memref<32x384xf32, #tpu.memory_space<hbm>>
      %dma_start3A_51 = arith.constant 0 : i32
      %dma_start3A_52 = tpu.memref_slice %arg4[%add3A_41, %dma_start3A_51] : memref<4096x384xf32, #tpu.memory_space<hbm>> -> memref<32x384xf32, #tpu.memory_space<hbm>>
      tpu.enqueue_dma source(%arg6 : memref<32x384xf32, #tpu.memory_space<vmem>>) target(%dma_start3A_52 : memref<32x384xf32, #tpu.memory_space<hbm>>) target_semaphore(%run_scoped3A : memref<!tpu.dma_semaphore, #tpu.memory_space<semaphore_mem>>)
      %dma_wait3A_53 = arith.constant 0 : i32
      %dma_wait3A_54 = tpu.memref_slice %arg4[%add3A_41, %dma_wait3A_53] : memref<4096x384xf32, #tpu.memory_space<hbm>> -> memref<32x384xf32, #tpu.memory_space<hbm>>
      %dma_wait3A_55 = arith.constant 0 : i32
      %dma_wait3A_56 = tpu.memref_slice %arg4[%add3A_41, %dma_wait3A_55] : memref<4096x384xf32, #tpu.memory_space<hbm>> -> memref<32x384xf32, #tpu.memory_space<hbm>>
      tpu.wait_dma2 semaphore(%run_scoped3A : memref<!tpu.dma_semaphore, #tpu.memory_space<semaphore_mem>>) src(%arg6 : memref<32x384xf32, #tpu.memory_space<vmem>>) dst(%dma_wait3A_56 : memref<32x384xf32, #tpu.memory_space<hbm>>)
      tpu.yield
    }) : () -> ()
    %dma_wait3A_42 = arith.constant 96 : i32
    %dma_wait3A_43 = tpu.memref_slice %arg5[%dma_wait3A_42] : memref<128xi32, #tpu.memory_space<vmem>> -> memref<32xi32, #tpu.memory_space<vmem>>
    %dma_wait3A_44 = arith.constant 0 : i32
    %dma_wait3A_45 = arith.constant 0 : i32
    %dma_wait3A_46 = tpu.memref_slice %arg2[%dma_wait3A_44, %dma_wait3A_45] : memref<5120x384xf32, #tpu.memory_space<hbm>> -> memref<5120x384xf32, #tpu.memory_space<hbm>>
    tpu.wait_indirect_dma semaphore(%arg9 : memref<!tpu.dma_semaphore, #tpu.memory_space<semaphore_mem>>) src(%dma_wait3A_46 : memref<5120x384xf32, #tpu.memory_space<hbm>>) dst(%arg7 : memref<32x384xf32, #tpu.memory_space<vmem>>)
    %add3A_47 = arith.constant 96 : i32
    %add3A_48 = arith.addi %mul3A_2, %add3A_47 : i32
    "tpu.region"() ({
      %run_scoped3A = tpu.sem_alloc : memref<!tpu.dma_semaphore, #tpu.memory_space<semaphore_mem>>
      %dma_start3A_49 = arith.constant 0 : i32
      %dma_start3A_50 = tpu.memref_slice %arg4[%add3A_48, %dma_start3A_49] : memref<4096x384xf32, #tpu.memory_space<hbm>> -> memref<32x384xf32, #tpu.memory_space<hbm>>
      %dma_start3A_51 = arith.constant 0 : i32
      %dma_start3A_52 = tpu.memref_slice %arg4[%add3A_48, %dma_start3A_51] : memref<4096x384xf32, #tpu.memory_space<hbm>> -> memref<32x384xf32, #tpu.memory_space<hbm>>
      tpu.enqueue_dma source(%arg7 : memref<32x384xf32, #tpu.memory_space<vmem>>) target(%dma_start3A_52 : memref<32x384xf32, #tpu.memory_space<hbm>>) target_semaphore(%run_scoped3A : memref<!tpu.dma_semaphore, #tpu.memory_space<semaphore_mem>>)
      %dma_wait3A_53 = arith.constant 0 : i32
      %dma_wait3A_54 = tpu.memref_slice %arg4[%add3A_48, %dma_wait3A_53] : memref<4096x384xf32, #tpu.memory_space<hbm>> -> memref<32x384xf32, #tpu.memory_space<hbm>>
      %dma_wait3A_55 = arith.constant 0 : i32
      %dma_wait3A_56 = tpu.memref_slice %arg4[%add3A_48, %dma_wait3A_55] : memref<4096x384xf32, #tpu.memory_space<hbm>> -> memref<32x384xf32, #tpu.memory_space<hbm>>
      tpu.wait_dma2 semaphore(%run_scoped3A : memref<!tpu.dma_semaphore, #tpu.memory_space<semaphore_mem>>) src(%arg7 : memref<32x384xf32, #tpu.memory_space<vmem>>) dst(%dma_wait3A_56 : memref<32x384xf32, #tpu.memory_space<hbm>>)
      tpu.yield
    }) : () -> ()
    return
  }
}

module attributes {stable_mosaic.version = 14 : i64} {
  func.func @_attn_body(%arg0: i32, %arg1: i32, %arg2: memref<1024x768xf32, #tpu.memory_space<vmem>>, %arg3: memref<2048x768xf32, #tpu.memory_space<vmem>>, %arg4: memref<768x128xf32, #tpu.memory_space<vmem>>, %arg5: memref<768x128xf32, #tpu.memory_space<vmem>>, %arg6: memref<768x128xf32, #tpu.memory_space<vmem>>, %arg7: memref<1x128xf32, #tpu.memory_space<vmem>>, %arg8: memref<1x128xf32, #tpu.memory_space<vmem>>, %arg9: memref<1x128xf32, #tpu.memory_space<vmem>>, %arg10: memref<1024x128xf32, #tpu.memory_space<vmem>>, %arg11: memref<2048x128xf32, #tpu.memory_space<vmem>>, %arg12: memref<2048x128xf32, #tpu.memory_space<vmem>>) attributes {dimension_semantics = [#tpu.dimension_semantics<arbitrary>, #tpu.dimension_semantics<arbitrary>], iteration_bounds = array<i64: 6, 2>, scalar_prefetch = 0 : i64, scratch_operands = 2 : i64, tpu.core_type = #tpu.core_type<tc>, window_params = [{transform_indices = @transform_0, window_bounds = array<i64: 1024, 768>}, {pipeline_mode = #tpu.pipeline_mode<synchronous>, transform_indices = @transform_1, window_bounds = array<i64: 2048, 768>}, {transform_indices = @transform_2, window_bounds = array<i64: 768, 128>}, {transform_indices = @transform_3, window_bounds = array<i64: 768, 128>}, {transform_indices = @transform_4, window_bounds = array<i64: 768, 128>}, {transform_indices = @transform_5, window_bounds = array<i64: 1, 128>}, {transform_indices = @transform_6, window_bounds = array<i64: 1, 128>}, {transform_indices = @transform_7, window_bounds = array<i64: 1, 128>}, {transform_indices = @transform_8, window_bounds = array<i64: 1024, 128>}]} {
    %eq3A = arith.constant 0 : i32
    %eq3A_0 = arith.cmpi eq, %arg1, %eq3A : i32
    %convert_element_type3A = arith.extui %eq3A_0 : i1 to i32
    %cond3A = arith.constant 0 : i32
    %cond3A_1 = arith.cmpi ne, %convert_element_type3A, %cond3A : i32
    scf.if %cond3A_1 {
      %get3A_57 = arith.constant 0 : index
      %get3A_58 = arith.constant 0 : index
      %get3A_59 = vector.load %arg3[%get3A_57, %get3A_58] : memref<2048x768xf32, #tpu.memory_space<vmem>>, vector<2048x768xf32>
      %get3A_60 = arith.constant 0 : index
      %get3A_61 = arith.constant 0 : index
      %get3A_62 = vector.load %arg5[%get3A_60, %get3A_61] : memref<768x128xf32, #tpu.memory_space<vmem>>, vector<768x128xf32>
      %dot_general3A_63 = arith.constant dense<0.000000e+00> : vector<2048x128xf32>
      %dot_general3A_64 = tpu.matmul %get3A_59, %get3A_62, %dot_general3A_63 {dimension_numbers = #tpu.dot_dimension_numbers<[1], [0], [0], [1], [0, 0, 1, 1], [], []>, transpose_lhs_hint = false} : vector<2048x768xf32>, vector<768x128xf32>, vector<2048x128xf32> -> vector<2048x128xf32>
      %get3A_65 = arith.constant 0 : index
      %get3A_66 = arith.constant 0 : index
      %get3A_67 = vector.load %arg8[%get3A_65, %get3A_66] : memref<1x128xf32, #tpu.memory_space<vmem>>, vector<1x128xf32>
      %add3A_68 = vector.broadcast %get3A_67 : vector<1x128xf32> to vector<2048x128xf32>
      %add3A_69 = arith.addf %dot_general3A_64, %add3A_68 : vector<2048x128xf32>
      %swap3A_70 = arith.constant 0 : index
      %swap3A_71 = arith.constant 0 : index
      %swap3A_72 = vector.load %arg11[%swap3A_70, %swap3A_71] : memref<2048x128xf32, #tpu.memory_space<vmem>>, vector<2048x128xf32>
      tpu.vector_store %arg11[%swap3A_70, %swap3A_71], %add3A_69 {strides = array<i32>} : memref<2048x128xf32, #tpu.memory_space<vmem>>, vector<2048x128xf32>,
      %get3A_73 = arith.constant 0 : index
      %get3A_74 = arith.constant 0 : index
      %get3A_75 = vector.load %arg6[%get3A_73, %get3A_74] : memref<768x128xf32, #tpu.memory_space<vmem>>, vector<768x128xf32>
      %dot_general3A_76 = arith.constant dense<0.000000e+00> : vector<2048x128xf32>
      %dot_general3A_77 = tpu.matmul %get3A_59, %get3A_75, %dot_general3A_76 {dimension_numbers = #tpu.dot_dimension_numbers<[1], [0], [0], [1], [0, 0, 1, 1], [], []>, transpose_lhs_hint = false} : vector<2048x768xf32>, vector<768x128xf32>, vector<2048x128xf32> -> vector<2048x128xf32>
      %get3A_78 = arith.constant 0 : index
      %get3A_79 = arith.constant 0 : index
      %get3A_80 = vector.load %arg9[%get3A_78, %get3A_79] : memref<1x128xf32, #tpu.memory_space<vmem>>, vector<1x128xf32>
      %add3A_81 = vector.broadcast %get3A_80 : vector<1x128xf32> to vector<2048x128xf32>
      %add3A_82 = arith.addf %dot_general3A_77, %add3A_81 : vector<2048x128xf32>
      %swap3A_83 = arith.constant 0 : index
      %swap3A_84 = arith.constant 0 : index
      %swap3A_85 = vector.load %arg12[%swap3A_83, %swap3A_84] : memref<2048x128xf32, #tpu.memory_space<vmem>>, vector<2048x128xf32>
      tpu.vector_store %arg12[%swap3A_83, %swap3A_84], %add3A_82 {strides = array<i32>} : memref<2048x128xf32, #tpu.memory_space<vmem>>, vector<2048x128xf32>,
    } else {
    }
    %get3A = arith.constant 0 : index
    %get3A_2 = arith.constant 0 : index
    %get3A_3 = vector.load %arg2[%get3A, %get3A_2] : memref<1024x768xf32, #tpu.memory_space<vmem>>, vector<1024x768xf32>
    %get3A_4 = arith.constant 0 : index
    %get3A_5 = arith.constant 0 : index
    %get3A_6 = vector.load %arg4[%get3A_4, %get3A_5] : memref<768x128xf32, #tpu.memory_space<vmem>>, vector<768x128xf32>
    %dot_general3A = arith.constant dense<0.000000e+00> : vector<1024x128xf32>
    %dot_general3A_7 = tpu.matmul %get3A_3, %get3A_6, %dot_general3A {dimension_numbers = #tpu.dot_dimension_numbers<[1], [0], [0], [1], [0, 0, 1, 1], [], []>, transpose_lhs_hint = false} : vector<1024x768xf32>, vector<768x128xf32>, vector<1024x128xf32> -> vector<1024x128xf32>
    %get3A_8 = arith.constant 0 : index
    %get3A_9 = arith.constant 0 : index
    %get3A_10 = vector.load %arg7[%get3A_8, %get3A_9] : memref<1x128xf32, #tpu.memory_space<vmem>>, vector<1x128xf32>
    %add3A = vector.broadcast %get3A_10 : vector<1x128xf32> to vector<1024x128xf32>
    %add3A_11 = arith.addf %dot_general3A_7, %add3A : vector<1024x128xf32>
    %mul3A = arith.constant 1.250000e-01 : f32
    %mul3A_12 = vector.broadcast %mul3A : f32 to vector<1024x128xf32>
    %mul3A_13 = arith.mulf %add3A_11, %mul3A_12 : vector<1024x128xf32>
    %get3A_14 = arith.constant 0 : index
    %get3A_15 = arith.constant 0 : index
    %get3A_16 = vector.load %arg11[%get3A_14, %get3A_15] : memref<2048x128xf32, #tpu.memory_space<vmem>>, vector<2048x128xf32>
    %get3A_17 = arith.constant 0 : index
    %get3A_18 = arith.constant 0 : index
    %get3A_19 = vector.load %arg12[%get3A_17, %get3A_18] : memref<2048x128xf32, #tpu.memory_space<vmem>>, vector<2048x128xf32>
    %slice3A = vector.extract_strided_slice %mul3A_13 {offsets = [0, 0], sizes = [1024, 64], strides = [1, 1]} : vector<1024x128xf32> to vector<1024x64xf32>
    %slice3A_20 = vector.extract_strided_slice %get3A_16 {offsets = [0, 0], sizes = [2048, 64], strides = [1, 1]} : vector<2048x128xf32> to vector<2048x64xf32>
    %slice3A_21 = vector.extract_strided_slice %get3A_19 {offsets = [0, 0], sizes = [2048, 64], strides = [1, 1]} : vector<2048x128xf32> to vector<2048x64xf32>
    %dot_general3A_22 = arith.constant dense<0.000000e+00> : vector<1024x2048xf32>
    %dot_general3A_23 = tpu.matmul %slice3A, %slice3A_20, %dot_general3A_22 {dimension_numbers = #tpu.dot_dimension_numbers<[1], [1], [0], [0], [0, 0, 1, 0], [], []>, transpose_lhs_hint = false} : vector<1024x64xf32>, vector<2048x64xf32>, vector<1024x2048xf32> -> vector<1024x2048xf32>
    %reduce_max3A = arith.constant dense<0xFF800000> : vector<1024xf32>
    %reduce_max3A_24 = vector.multi_reduction <maximumf>, %dot_general3A_23, %reduce_max3A [1] : vector<1024x2048xf32> to vector<1024xf32>
    %broadcast_in_dim3A = vector.shape_cast %reduce_max3A_24 : vector<1024xf32> to vector<1024x1xf32>
    %sub3A = vector.broadcast %broadcast_in_dim3A : vector<1024x1xf32> to vector<1024x2048xf32>
    %sub3A_25 = arith.subf %dot_general3A_23, %sub3A : vector<1024x2048xf32>
    %exp3A = math.exp %sub3A_25 : vector<1024x2048xf32>
    %reduce_sum3A = arith.constant dense<0.000000e+00> : vector<1024xf32>
    %reduce_sum3A_26 = vector.multi_reduction <add>, %exp3A, %reduce_sum3A [1] : vector<1024x2048xf32> to vector<1024xf32>
    %broadcast_in_dim3A_27 = vector.shape_cast %reduce_sum3A_26 : vector<1024xf32> to vector<1024x1xf32>
    %div3A = arith.constant 1.000000e+00 : f32
    %div3A_28 = vector.broadcast %div3A : f32 to vector<1024x1xf32>
    %div3A_29 = arith.divf %div3A_28, %broadcast_in_dim3A_27 : vector<1024x1xf32>
    %dot_general3A_30 = arith.constant dense<0.000000e+00> : vector<1024x64xf32>
    %dot_general3A_31 = tpu.matmul %exp3A, %slice3A_21, %dot_general3A_30 {dimension_numbers = #tpu.dot_dimension_numbers<[1], [0], [0], [1], [0, 0, 1, 1], [], []>, transpose_lhs_hint = false} : vector<1024x2048xf32>, vector<2048x64xf32>, vector<1024x64xf32> -> vector<1024x64xf32>
    %mul3A_32 = vector.broadcast %div3A_29 : vector<1024x1xf32> to vector<1024x64xf32>
    %mul3A_33 = arith.mulf %dot_general3A_31, %mul3A_32 : vector<1024x64xf32>
    %slice3A_34 = vector.extract_strided_slice %mul3A_13 {offsets = [0, 64], sizes = [1024, 64], strides = [1, 1]} : vector<1024x128xf32> to vector<1024x64xf32>
    %slice3A_35 = vector.extract_strided_slice %get3A_16 {offsets = [0, 64], sizes = [2048, 64], strides = [1, 1]} : vector<2048x128xf32> to vector<2048x64xf32>
    %slice3A_36 = vector.extract_strided_slice %get3A_19 {offsets = [0, 64], sizes = [2048, 64], strides = [1, 1]} : vector<2048x128xf32> to vector<2048x64xf32>
    %dot_general3A_37 = arith.constant dense<0.000000e+00> : vector<1024x2048xf32>
    %dot_general3A_38 = tpu.matmul %slice3A_34, %slice3A_35, %dot_general3A_37 {dimension_numbers = #tpu.dot_dimension_numbers<[1], [1], [0], [0], [0, 0, 1, 0], [], []>, transpose_lhs_hint = false} : vector<1024x64xf32>, vector<2048x64xf32>, vector<1024x2048xf32> -> vector<1024x2048xf32>
    %reduce_max3A_39 = arith.constant dense<0xFF800000> : vector<1024xf32>
    %reduce_max3A_40 = vector.multi_reduction <maximumf>, %dot_general3A_38, %reduce_max3A_39 [1] : vector<1024x2048xf32> to vector<1024xf32>
    %broadcast_in_dim3A_41 = vector.shape_cast %reduce_max3A_40 : vector<1024xf32> to vector<1024x1xf32>
    %sub3A_42 = vector.broadcast %broadcast_in_dim3A_41 : vector<1024x1xf32> to vector<1024x2048xf32>
    %sub3A_43 = arith.subf %dot_general3A_38, %sub3A_42 : vector<1024x2048xf32>
    %exp3A_44 = math.exp %sub3A_43 : vector<1024x2048xf32>
    %reduce_sum3A_45 = arith.constant dense<0.000000e+00> : vector<1024xf32>
    %reduce_sum3A_46 = vector.multi_reduction <add>, %exp3A_44, %reduce_sum3A_45 [1] : vector<1024x2048xf32> to vector<1024xf32>
    %broadcast_in_dim3A_47 = vector.shape_cast %reduce_sum3A_46 : vector<1024xf32> to vector<1024x1xf32>
    %div3A_48 = arith.constant 1.000000e+00 : f32
    %div3A_49 = vector.broadcast %div3A_48 : f32 to vector<1024x1xf32>
    %div3A_50 = arith.divf %div3A_49, %broadcast_in_dim3A_47 : vector<1024x1xf32>
    %dot_general3A_51 = arith.constant dense<0.000000e+00> : vector<1024x64xf32>
    %dot_general3A_52 = tpu.matmul %exp3A_44, %slice3A_36, %dot_general3A_51 {dimension_numbers = #tpu.dot_dimension_numbers<[1], [0], [0], [1], [0, 0, 1, 1], [], []>, transpose_lhs_hint = false} : vector<1024x2048xf32>, vector<2048x64xf32>, vector<1024x64xf32> -> vector<1024x64xf32>
    %mul3A_53 = vector.broadcast %div3A_50 : vector<1024x1xf32> to vector<1024x64xf32>
    %mul3A_54 = arith.mulf %dot_general3A_52, %mul3A_53 : vector<1024x64xf32>
    %concatenate3A = tpu.concatenate %mul3A_33, %mul3A_54 in 1 : vector<1024x64xf32>, vector<1024x64xf32> -> vector<1024x128xf32>
    %swap3A = arith.constant 0 : index
    %swap3A_55 = arith.constant 0 : index
    %swap3A_56 = vector.load %arg10[%swap3A, %swap3A_55] : memref<1024x128xf32, #tpu.memory_space<vmem>>, vector<1024x128xf32>
    tpu.vector_store %arg10[%swap3A, %swap3A_55], %concatenate3A {strides = array<i32>} : memref<1024x128xf32, #tpu.memory_space<vmem>>, vector<1024x128xf32>,
    return
  }
  func.func @transform_0(%arg0: i32, %arg1: i32) -> (i32, i32) {
    %c0_i32 = arith.constant 0 : i32
    %c0_i32_0 = arith.constant 0 : i32
    return %arg1, %c0_i32 : i32, i32
  }
  func.func @transform_1(%arg0: i32, %arg1: i32) -> (i32, i32) {
    %c0_i32 = arith.constant 0 : i32
    %c0_i32_0 = arith.constant 0 : i32
    %c0_i32_1 = arith.constant 0 : i32
    return %c0_i32, %c0_i32_0 : i32, i32
  }
  func.func @transform_2(%arg0: i32, %arg1: i32) -> (i32, i32) {
    %c0_i32 = arith.constant 0 : i32
    %c0_i32_0 = arith.constant 0 : i32
    return %c0_i32, %arg0 : i32, i32
  }
  func.func @transform_3(%arg0: i32, %arg1: i32) -> (i32, i32) {
    %c0_i32 = arith.constant 0 : i32
    %c0_i32_0 = arith.constant 0 : i32
    return %c0_i32, %arg0 : i32, i32
  }
  func.func @transform_4(%arg0: i32, %arg1: i32) -> (i32, i32) {
    %c0_i32 = arith.constant 0 : i32
    %c0_i32_0 = arith.constant 0 : i32
    return %c0_i32, %arg0 : i32, i32
  }
  func.func @transform_5(%arg0: i32, %arg1: i32) -> (i32, i32) {
    %c0_i32 = arith.constant 0 : i32
    %c0_i32_0 = arith.constant 0 : i32
    return %c0_i32, %arg0 : i32, i32
  }
  func.func @transform_6(%arg0: i32, %arg1: i32) -> (i32, i32) {
    %c0_i32 = arith.constant 0 : i32
    %c0_i32_0 = arith.constant 0 : i32
    return %c0_i32, %arg0 : i32, i32
  }
  func.func @transform_7(%arg0: i32, %arg1: i32) -> (i32, i32) {
    %c0_i32 = arith.constant 0 : i32
    %c0_i32_0 = arith.constant 0 : i32
    return %c0_i32, %arg0 : i32, i32
  }
  func.func @transform_8(%arg0: i32, %arg1: i32) -> (i32, i32) {
    %c0_i32 = arith.constant 0 : i32
    return %arg1, %arg0 : i32, i32
  }
}

module attributes {stable_mosaic.version = 14 : i64} {
  func.func @_post_body(%arg0: i32, %arg1: memref<512x768xf32, #tpu.memory_space<vmem>>, %arg2: memref<512x768xf32, #tpu.memory_space<vmem>>, %arg3: memref<768x768xf32, #tpu.memory_space<vmem>>, %arg4: memref<1x768xf32, #tpu.memory_space<vmem>>, %arg5: memref<1x768xf32, #tpu.memory_space<vmem>>, %arg6: memref<1x768xf32, #tpu.memory_space<vmem>>, %arg7: memref<1x768xf32, #tpu.memory_space<vmem>>, %arg8: memref<1x768xf32, #tpu.memory_space<vmem>>, %arg9: memref<768x8xf32, #tpu.memory_space<vmem>>, %arg10: memref<512x768xf32, #tpu.memory_space<vmem>>, %arg11: memref<512x768xbf16, #tpu.memory_space<vmem>>, %arg12: memref<512x8xf32, #tpu.memory_space<vmem>>, %arg13: memref<512x1xf32, #tpu.memory_space<vmem>>, %arg14: memref<512x1xf32, #tpu.memory_space<vmem>>, %arg15: memref<512x1xi32, #tpu.memory_space<vmem>>, %arg16: memref<512x1xi32, #tpu.memory_space<vmem>>) attributes {dimension_semantics = [#tpu.dimension_semantics<arbitrary>], iteration_bounds = array<i64: 4>, scalar_prefetch = 0 : i64, scratch_operands = 0 : i64, tpu.core_type = #tpu.core_type<tc>, window_params = [{transform_indices = @transform_0, window_bounds = array<i64: 512, 768>}, {transform_indices = @transform_1, window_bounds = array<i64: 512, 768>}, {pipeline_mode = #tpu.pipeline_mode<synchronous>, transform_indices = @transform_2, window_bounds = array<i64: 768, 768>}, {pipeline_mode = #tpu.pipeline_mode<synchronous>, transform_indices = @transform_3, window_bounds = array<i64: 1, 768>}, {pipeline_mode = #tpu.pipeline_mode<synchronous>, transform_indices = @transform_4, window_bounds = array<i64: 1, 768>}, {pipeline_mode = #tpu.pipeline_mode<synchronous>, transform_indices = @transform_5, window_bounds = array<i64: 1, 768>}, {pipeline_mode = #tpu.pipeline_mode<synchronous>, transform_indices = @transform_6, window_bounds = array<i64: 1, 768>}, {pipeline_mode = #tpu.pipeline_mode<synchronous>, transform_indices = @transform_7, window_bounds = array<i64: 1, 768>}, {pipeline_mode = #tpu.pipeline_mode<synchronous>, transform_indices = @transform_8, window_bounds = array<i64: 768, 8>}, {transform_indices = @transform_9, window_bounds = array<i64: 512, 768>}, {transform_indices = @transform_10, window_bounds = array<i64: 512, 768>}, {transform_indices = @transform_11, window_bounds = array<i64: 512, 8>}, {transform_indices = @transform_12, window_bounds = array<i64: 512, 1>}, {transform_indices = @transform_13, window_bounds = array<i64: 512, 1>}, {transform_indices = @transform_14, window_bounds = array<i64: 512, 1>}, {transform_indices = @transform_15, window_bounds = array<i64: 512, 1>}]} {
    %get3A = arith.constant 0 : index
    %get3A_0 = arith.constant 0 : index
    %get3A_1 = vector.load %arg1[%get3A, %get3A_0] : memref<512x768xf32, #tpu.memory_space<vmem>>, vector<512x768xf32>
    %get3A_2 = arith.constant 0 : index
    %get3A_3 = arith.constant 0 : index
    %get3A_4 = vector.load %arg3[%get3A_2, %get3A_3] : memref<768x768xf32, #tpu.memory_space<vmem>>, vector<768x768xf32>
    %dot_general3A = arith.constant dense<0.000000e+00> : vector<512x768xf32>
    %dot_general3A_5 = tpu.matmul %get3A_1, %get3A_4, %dot_general3A {dimension_numbers = #tpu.dot_dimension_numbers<[1], [0], [0], [1], [0, 0, 1, 1], [], []>, transpose_lhs_hint = false} : vector<512x768xf32>, vector<768x768xf32>, vector<512x768xf32> -> vector<512x768xf32>
    %get3A_6 = arith.constant 0 : index
    %get3A_7 = arith.constant 0 : index
    %get3A_8 = vector.load %arg4[%get3A_6, %get3A_7] : memref<1x768xf32, #tpu.memory_space<vmem>>, vector<1x768xf32>
    %add3A = vector.broadcast %get3A_8 : vector<1x768xf32> to vector<512x768xf32>
    %add3A_9 = arith.addf %dot_general3A_5, %add3A : vector<512x768xf32>
    %get3A_10 = arith.constant 0 : index
    %get3A_11 = arith.constant 0 : index
    %get3A_12 = vector.load %arg2[%get3A_10, %get3A_11] : memref<512x768xf32, #tpu.memory_space<vmem>>, vector<512x768xf32>
    %add3A_13 = arith.addf %add3A_9, %get3A_12 : vector<512x768xf32>
    %get3A_14 = arith.constant 0 : index
    %get3A_15 = arith.constant 0 : index
    %get3A_16 = vector.load %arg5[%get3A_14, %get3A_15] : memref<1x768xf32, #tpu.memory_space<vmem>>, vector<1x768xf32>
    %get3A_17 = arith.constant 0 : index
    %get3A_18 = arith.constant 0 : index
    %get3A_19 = vector.load %arg6[%get3A_17, %get3A_18] : memref<1x768xf32, #tpu.memory_space<vmem>>, vector<1x768xf32>
    %reduce_sum3A = arith.constant dense<0.000000e+00> : vector<512xf32>
    %reduce_sum3A_20 = vector.multi_reduction <add>, %add3A_13, %reduce_sum3A [1] : vector<512x768xf32> to vector<512xf32>
    %broadcast_in_dim3A = vector.shape_cast %reduce_sum3A_20 : vector<512xf32> to vector<512x1xf32>
    %div3A = arith.constant 7.680000e+02 : f32
    %div3A_21 = vector.broadcast %div3A : f32 to vector<512x1xf32>
    %div3A_22 = arith.divf %broadcast_in_dim3A, %div3A_21 : vector<512x1xf32>
    %sub3A = vector.broadcast %div3A_22 : vector<512x1xf32> to vector<512x768xf32>
    %sub3A_23 = arith.subf %add3A_13, %sub3A : vector<512x768xf32>
    %integer_pow3A = arith.mulf %sub3A_23, %sub3A_23 : vector<512x768xf32>
    %reduce_sum3A_24 = arith.constant dense<0.000000e+00> : vector<512xf32>
    %reduce_sum3A_25 = vector.multi_reduction <add>, %integer_pow3A, %reduce_sum3A_24 [1] : vector<512x768xf32> to vector<512xf32>
    %broadcast_in_dim3A_26 = vector.shape_cast %reduce_sum3A_25 : vector<512xf32> to vector<512x1xf32>
    %div3A_27 = arith.constant 7.680000e+02 : f32
    %div3A_28 = vector.broadcast %div3A_27 : f32 to vector<512x1xf32>
    %div3A_29 = arith.divf %broadcast_in_dim3A_26, %div3A_28 : vector<512x1xf32>
    %sub3A_30 = vector.broadcast %div3A_22 : vector<512x1xf32> to vector<512x768xf32>
    %sub3A_31 = arith.subf %add3A_13, %sub3A_30 : vector<512x768xf32>
    %add3A_32 = arith.constant 9.99999996E-13 : f32
    %add3A_33 = vector.broadcast %add3A_32 : f32 to vector<512x1xf32>
    %add3A_34 = arith.addf %div3A_29, %add3A_33 : vector<512x1xf32>
    %sqrt3A = math.sqrt %add3A_34 : vector<512x1xf32>
    %div3A_35 = vector.broadcast %sqrt3A : vector<512x1xf32> to vector<512x768xf32>
    %div3A_36 = arith.divf %sub3A_31, %div3A_35 : vector<512x768xf32>
    %mul3A = vector.broadcast %get3A_16 : vector<1x768xf32> to vector<512x768xf32>
    %mul3A_37 = arith.mulf %div3A_36, %mul3A : vector<512x768xf32>
    %add3A_38 = vector.broadcast %get3A_19 : vector<1x768xf32> to vector<512x768xf32>
    %add3A_39 = arith.addf %mul3A_37, %add3A_38 : vector<512x768xf32>
    %swap3A = arith.constant 0 : index
    %swap3A_40 = arith.constant 0 : index
    %swap3A_41 = vector.load %arg10[%swap3A, %swap3A_40] : memref<512x768xf32, #tpu.memory_space<vmem>>, vector<512x768xf32>
    tpu.vector_store %arg10[%swap3A, %swap3A_40], %add3A_39 {strides = array<i32>} : memref<512x768xf32, #tpu.memory_space<vmem>>, vector<512x768xf32>,
    %get3A_42 = arith.constant 0 : index
    %get3A_43 = arith.constant 0 : index
    %get3A_44 = vector.load %arg7[%get3A_42, %get3A_43] : memref<1x768xf32, #tpu.memory_space<vmem>>, vector<1x768xf32>
    %get3A_45 = arith.constant 0 : index
    %get3A_46 = arith.constant 0 : index
    %get3A_47 = vector.load %arg8[%get3A_45, %get3A_46] : memref<1x768xf32, #tpu.memory_space<vmem>>, vector<1x768xf32>
    %reduce_sum3A_48 = arith.constant dense<0.000000e+00> : vector<512xf32>
    %reduce_sum3A_49 = vector.multi_reduction <add>, %add3A_39, %reduce_sum3A_48 [1] : vector<512x768xf32> to vector<512xf32>
    %broadcast_in_dim3A_50 = vector.shape_cast %reduce_sum3A_49 : vector<512xf32> to vector<512x1xf32>
    %div3A_51 = arith.constant 7.680000e+02 : f32
    %div3A_52 = vector.broadcast %div3A_51 : f32 to vector<512x1xf32>
    %div3A_53 = arith.divf %broadcast_in_dim3A_50, %div3A_52 : vector<512x1xf32>
    %sub3A_54 = vector.broadcast %div3A_53 : vector<512x1xf32> to vector<512x768xf32>
    %sub3A_55 = arith.subf %add3A_39, %sub3A_54 : vector<512x768xf32>
    %integer_pow3A_56 = arith.mulf %sub3A_55, %sub3A_55 : vector<512x768xf32>
    %reduce_sum3A_57 = arith.constant dense<0.000000e+00> : vector<512xf32>
    %reduce_sum3A_58 = vector.multi_reduction <add>, %integer_pow3A_56, %reduce_sum3A_57 [1] : vector<512x768xf32> to vector<512xf32>
    %broadcast_in_dim3A_59 = vector.shape_cast %reduce_sum3A_58 : vector<512xf32> to vector<512x1xf32>
    %div3A_60 = arith.constant 7.680000e+02 : f32
    %div3A_61 = vector.broadcast %div3A_60 : f32 to vector<512x1xf32>
    %div3A_62 = arith.divf %broadcast_in_dim3A_59, %div3A_61 : vector<512x1xf32>
    %sub3A_63 = vector.broadcast %div3A_53 : vector<512x1xf32> to vector<512x768xf32>
    %sub3A_64 = arith.subf %add3A_39, %sub3A_63 : vector<512x768xf32>
    %add3A_65 = arith.constant 9.99999996E-13 : f32
    %add3A_66 = vector.broadcast %add3A_65 : f32 to vector<512x1xf32>
    %add3A_67 = arith.addf %div3A_62, %add3A_66 : vector<512x1xf32>
    %sqrt3A_68 = math.sqrt %add3A_67 : vector<512x1xf32>
    %div3A_69 = vector.broadcast %sqrt3A_68 : vector<512x1xf32> to vector<512x768xf32>
    %div3A_70 = arith.divf %sub3A_64, %div3A_69 : vector<512x768xf32>
    %mul3A_71 = vector.broadcast %get3A_44 : vector<1x768xf32> to vector<512x768xf32>
    %mul3A_72 = arith.mulf %div3A_70, %mul3A_71 : vector<512x768xf32>
    %add3A_73 = vector.broadcast %get3A_47 : vector<1x768xf32> to vector<512x768xf32>
    %add3A_74 = arith.addf %mul3A_72, %add3A_73 : vector<512x768xf32>
    %convert_element_type3A = arith.truncf %add3A_74 : vector<512x768xf32> to vector<512x768xbf16>
    %swap3A_75 = arith.constant 0 : index
    %swap3A_76 = arith.constant 0 : index
    %swap3A_77 = vector.load %arg11[%swap3A_75, %swap3A_76] : memref<512x768xbf16, #tpu.memory_space<vmem>>, vector<512x768xbf16>
    tpu.vector_store %arg11[%swap3A_75, %swap3A_76], %convert_element_type3A {strides = array<i32>} : memref<512x768xbf16, #tpu.memory_space<vmem>>, vector<512x768xbf16>,
    %get3A_78 = arith.constant 0 : index
    %get3A_79 = arith.constant 0 : index
    %get3A_80 = vector.load %arg9[%get3A_78, %get3A_79] : memref<768x8xf32, #tpu.memory_space<vmem>>, vector<768x8xf32>
    %dot_general3A_81 = arith.constant dense<0.000000e+00> : vector<512x8xf32>
    %dot_general3A_82 = tpu.matmul %add3A_74, %get3A_80, %dot_general3A_81 {dimension_numbers = #tpu.dot_dimension_numbers<[1], [0], [0], [1], [0, 0, 1, 1], [], []>, transpose_lhs_hint = false} : vector<512x768xf32>, vector<768x8xf32>, vector<512x8xf32> -> vector<512x8xf32>
    %swap3A_83 = arith.constant 0 : index
    %swap3A_84 = arith.constant 0 : index
    %swap3A_85 = vector.load %arg12[%swap3A_83, %swap3A_84] : memref<512x8xf32, #tpu.memory_space<vmem>>, vector<512x8xf32>
    tpu.vector_store %arg12[%swap3A_83, %swap3A_84], %dot_general3A_82 {strides = array<i32>} : memref<512x8xf32, #tpu.memory_space<vmem>>, vector<512x8xf32>,
    %reduce_max3A = arith.constant dense<0xFF800000> : vector<512xf32>
    %reduce_max3A_86 = vector.multi_reduction <maximumf>, %dot_general3A_82, %reduce_max3A [1] : vector<512x8xf32> to vector<512xf32>
    %broadcast_in_dim3A_87 = vector.shape_cast %reduce_max3A_86 : vector<512xf32> to vector<512x1xf32>
    %sub3A_88 = vector.broadcast %broadcast_in_dim3A_87 : vector<512x1xf32> to vector<512x8xf32>
    %sub3A_89 = arith.subf %dot_general3A_82, %sub3A_88 : vector<512x8xf32>
    %exp3A = math.exp %sub3A_89 : vector<512x8xf32>
    %reduce_sum3A_90 = arith.constant dense<0.000000e+00> : vector<512xf32>
    %reduce_sum3A_91 = vector.multi_reduction <add>, %exp3A, %reduce_sum3A_90 [1] : vector<512x8xf32> to vector<512xf32>
    %broadcast_in_dim3A_92 = vector.shape_cast %reduce_sum3A_91 : vector<512xf32> to vector<512x1xf32>
    %div3A_93 = vector.broadcast %broadcast_in_dim3A_92 : vector<512x1xf32> to vector<512x8xf32>
    %div3A_94 = arith.divf %exp3A, %div3A_93 : vector<512x8xf32>
    %iota3A = tpu.iota {dimensions = array<i32: 1>} : vector<512x8xi32>
    %reduce_max3A_95 = arith.constant dense<0xFF800000> : vector<512xf32>
    %reduce_max3A_96 = vector.multi_reduction <maximumf>, %div3A_94, %reduce_max3A_95 [1] : vector<512x8xf32> to vector<512xf32>
    %broadcast_in_dim3A_97 = vector.shape_cast %reduce_max3A_96 : vector<512xf32> to vector<512x1xf32>
    %eq3A = vector.broadcast %broadcast_in_dim3A_97 : vector<512x1xf32> to vector<512x8xf32>
    %eq3A_98 = arith.cmpf oeq, %div3A_94, %eq3A : vector<512x8xf32>
    %jit3A = arith.constant 8 : i32
    %broadcast_in_dim3A_99 = vector.broadcast %jit3A : i32 to vector<512x8xi32>
    %select_n3A = arith.select %eq3A_98, %iota3A, %broadcast_in_dim3A_99 : vector<512x8xi1>, vector<512x8xi32>
    %reduce_min3A = arith.constant dense<2147483647> : vector<512xi32>
    %reduce_min3A_100 = vector.multi_reduction <minsi>, %select_n3A, %reduce_min3A [1] : vector<512x8xi32> to vector<512xi32>
    %broadcast_in_dim3A_101 = vector.shape_cast %reduce_min3A_100 : vector<512xi32> to vector<512x1xi32>
    %eq3A_102 = vector.broadcast %broadcast_in_dim3A_101 : vector<512x1xi32> to vector<512x8xi32>
    %eq3A_103 = arith.cmpi eq, %iota3A, %eq3A_102 : vector<512x8xi32>
    %jit3A_104 = arith.constant -1.000000e+00 : f32
    %broadcast_in_dim3A_105 = vector.broadcast %jit3A_104 : f32 to vector<512x8xf32>
    %select_n3A_106 = arith.select %eq3A_103, %broadcast_in_dim3A_105, %div3A_94 : vector<512x8xi1>, vector<512x8xf32>
    %reduce_max3A_107 = arith.constant dense<0xFF800000> : vector<512xf32>
    %reduce_max3A_108 = vector.multi_reduction <maximumf>, %select_n3A_106, %reduce_max3A_107 [1] : vector<512x8xf32> to vector<512xf32>
    %broadcast_in_dim3A_109 = vector.shape_cast %reduce_max3A_108 : vector<512xf32> to vector<512x1xf32>
    %eq3A_110 = vector.broadcast %broadcast_in_dim3A_109 : vector<512x1xf32> to vector<512x8xf32>
    %eq3A_111 = arith.cmpf oeq, %select_n3A_106, %eq3A_110 : vector<512x8xf32>
    %jit3A_112 = arith.constant 8 : i32
    %broadcast_in_dim3A_113 = vector.broadcast %jit3A_112 : i32 to vector<512x8xi32>
    %select_n3A_114 = arith.select %eq3A_111, %iota3A, %broadcast_in_dim3A_113 : vector<512x8xi1>, vector<512x8xi32>
    %reduce_min3A_115 = arith.constant dense<2147483647> : vector<512xi32>
    %reduce_min3A_116 = vector.multi_reduction <minsi>, %select_n3A_114, %reduce_min3A_115 [1] : vector<512x8xi32> to vector<512xi32>
    %broadcast_in_dim3A_117 = vector.shape_cast %reduce_min3A_116 : vector<512xi32> to vector<512x1xi32>
    %add3A_118 = arith.addf %broadcast_in_dim3A_97, %broadcast_in_dim3A_109 : vector<512x1xf32>
    %div3A_119 = arith.divf %broadcast_in_dim3A_97, %add3A_118 : vector<512x1xf32>
    %swap3A_120 = arith.constant 0 : index
    %swap3A_121 = arith.constant 0 : index
    %swap3A_122 = vector.load %arg13[%swap3A_120, %swap3A_121] : memref<512x1xf32, #tpu.memory_space<vmem>>, vector<512x1xf32>
    tpu.vector_store %arg13[%swap3A_120, %swap3A_121], %div3A_119 {strides = array<i32>} : memref<512x1xf32, #tpu.memory_space<vmem>>, vector<512x1xf32>,
    %div3A_123 = arith.divf %broadcast_in_dim3A_109, %add3A_118 : vector<512x1xf32>
    %swap3A_124 = arith.constant 0 : index
    %swap3A_125 = arith.constant 0 : index
    %swap3A_126 = vector.load %arg14[%swap3A_124, %swap3A_125] : memref<512x1xf32, #tpu.memory_space<vmem>>, vector<512x1xf32>
    tpu.vector_store %arg14[%swap3A_124, %swap3A_125], %div3A_123 {strides = array<i32>} : memref<512x1xf32, #tpu.memory_space<vmem>>, vector<512x1xf32>,
    %swap3A_127 = arith.constant 0 : index
    %swap3A_128 = arith.constant 0 : index
    %swap3A_129 = vector.load %arg15[%swap3A_127, %swap3A_128] : memref<512x1xi32, #tpu.memory_space<vmem>>, vector<512x1xi32>
    tpu.vector_store %arg15[%swap3A_127, %swap3A_128], %broadcast_in_dim3A_101 {strides = array<i32>} : memref<512x1xi32, #tpu.memory_space<vmem>>, vector<512x1xi32>,
    %swap3A_130 = arith.constant 0 : index
    %swap3A_131 = arith.constant 0 : index
    %swap3A_132 = vector.load %arg16[%swap3A_130, %swap3A_131] : memref<512x1xi32, #tpu.memory_space<vmem>>, vector<512x1xi32>
    tpu.vector_store %arg16[%swap3A_130, %swap3A_131], %broadcast_in_dim3A_117 {strides = array<i32>} : memref<512x1xi32, #tpu.memory_space<vmem>>, vector<512x1xi32>,
    return
  }
  func.func @transform_0(%arg0: i32) -> (i32, i32) {
    %c0_i32 = arith.constant 0 : i32
    %c0_i32_0 = arith.constant 0 : i32
    return %arg0, %c0_i32 : i32, i32
  }
  func.func @transform_1(%arg0: i32) -> (i32, i32) {
    %c0_i32 = arith.constant 0 : i32
    %c0_i32_0 = arith.constant 0 : i32
    return %arg0, %c0_i32 : i32, i32
  }
  func.func @transform_2(%arg0: i32) -> (i32, i32) {
    %c0_i32 = arith.constant 0 : i32
    %c0_i32_0 = arith.constant 0 : i32
    %c0_i32_1 = arith.constant 0 : i32
    return %c0_i32, %c0_i32_0 : i32, i32
  }
  func.func @transform_3(%arg0: i32) -> (i32, i32) {
    %c0_i32 = arith.constant 0 : i32
    %c0_i32_0 = arith.constant 0 : i32
    %c0_i32_1 = arith.constant 0 : i32
    return %c0_i32, %c0_i32_0 : i32, i32
  }
  func.func @transform_4(%arg0: i32) -> (i32, i32) {
    %c0_i32 = arith.constant 0 : i32
    %c0_i32_0 = arith.constant 0 : i32
    %c0_i32_1 = arith.constant 0 : i32
    return %c0_i32, %c0_i32_0 : i32, i32
  }
  func.func @transform_5(%arg0: i32) -> (i32, i32) {
    %c0_i32 = arith.constant 0 : i32
    %c0_i32_0 = arith.constant 0 : i32
    %c0_i32_1 = arith.constant 0 : i32
    return %c0_i32, %c0_i32_0 : i32, i32
  }
  func.func @transform_6(%arg0: i32) -> (i32, i32) {
    %c0_i32 = arith.constant 0 : i32
    %c0_i32_0 = arith.constant 0 : i32
    %c0_i32_1 = arith.constant 0 : i32
    return %c0_i32, %c0_i32_0 : i32, i32
  }
  func.func @transform_7(%arg0: i32) -> (i32, i32) {
    %c0_i32 = arith.constant 0 : i32
    %c0_i32_0 = arith.constant 0 : i32
    %c0_i32_1 = arith.constant 0 : i32
    return %c0_i32, %c0_i32_0 : i32, i32
  }
  func.func @transform_8(%arg0: i32) -> (i32, i32) {
    %c0_i32 = arith.constant 0 : i32
    %c0_i32_0 = arith.constant 0 : i32
    %c0_i32_1 = arith.constant 0 : i32
    return %c0_i32, %c0_i32_0 : i32, i32
  }
  func.func @transform_9(%arg0: i32) -> (i32, i32) {
    %c0_i32 = arith.constant 0 : i32
    %c0_i32_0 = arith.constant 0 : i32
    return %arg0, %c0_i32 : i32, i32
  }
  func.func @transform_10(%arg0: i32) -> (i32, i32) {
    %c0_i32 = arith.constant 0 : i32
    %c0_i32_0 = arith.constant 0 : i32
    return %arg0, %c0_i32 : i32, i32
  }
  func.func @transform_11(%arg0: i32) -> (i32, i32) {
    %c0_i32 = arith.constant 0 : i32
    %c0_i32_0 = arith.constant 0 : i32
    return %arg0, %c0_i32 : i32, i32
  }
  func.func @transform_12(%arg0: i32) -> (i32, i32) {
    %c0_i32 = arith.constant 0 : i32
    %c0_i32_0 = arith.constant 0 : i32
    return %arg0, %c0_i32 : i32, i32
  }
  func.func @transform_13(%arg0: i32) -> (i32, i32) {
    %c0_i32 = arith.constant 0 : i32
    %c0_i32_0 = arith.constant 0 : i32
    return %arg0, %c0_i32 : i32, i32
  }
  func.func @transform_14(%arg0: i32) -> (i32, i32) {
    %c0_i32 = arith.constant 0 : i32
    %c0_i32_0 = arith.constant 0 : i32
    return %arg0, %c0_i32 : i32, i32
  }
  func.func @transform_15(%arg0: i32) -> (i32, i32) {
    %c0_i32 = arith.constant 0 : i32
    %c0_i32_0 = arith.constant 0 : i32
    return %arg0, %c0_i32 : i32, i32
  }
}

module attributes {stable_mosaic.version = 14 : i64} {
  func.func @_gemm_body(%arg0: i32, %arg1: memref<40xi32, #tpu.memory_space<smem>>, %arg2: memref<2x2048xi32, #tpu.memory_space<vmem>>, %arg3: memref<2048x768xbf16, #tpu.memory_space<vmem>>, %arg4: memref<1x768x3072xf32, #tpu.memory_space<vmem>>, %arg5: memref<1x1x3072xf32, #tpu.memory_space<vmem>>, %arg6: memref<1x768x3072xf32, #tpu.memory_space<vmem>>, %arg7: memref<1x1x3072xf32, #tpu.memory_space<vmem>>, %arg8: memref<1x3072x768xbf16, #tpu.memory_space<vmem>>, %arg9: memref<1x1x768xf32, #tpu.memory_space<vmem>>, %arg10: memref<128x384xf32, #tpu.memory_space<vmem>>) attributes {dimension_semantics = [#tpu.dimension_semantics<arbitrary>], iteration_bounds = array<i64: 40>, scalar_prefetch = 1 : i64, scratch_operands = 0 : i64, tpu.core_type = #tpu.core_type<tc>, window_params = [{pipeline_mode = #tpu.pipeline_mode<synchronous>, transform_indices = @transform_0, window_bounds = array<i64: 2, 2048>}, {pipeline_mode = #tpu.pipeline_mode<synchronous>, transform_indices = @transform_1, window_bounds = array<i64: 2048, 768>}, {transform_indices = @transform_2, window_bounds = array<i64: 1, 768, 3072>}, {transform_indices = @transform_3, window_bounds = array<i64: 1, 1, 3072>}, {transform_indices = @transform_4, window_bounds = array<i64: 1, 768, 3072>}, {transform_indices = @transform_5, window_bounds = array<i64: 1, 1, 3072>}, {transform_indices = @transform_6, window_bounds = array<i64: 1, 3072, 768>}, {transform_indices = @transform_7, window_bounds = array<i64: 1, 1, 768>}, {transform_indices = @transform_8, window_bounds = array<i64: 128, 384>}]} {
    %iota3A = tpu.iota {dimensions = array<i32: 0>} : vector<128x2048xi32>
    %mul3A = arith.constant 128 : i32
    %mul3A_0 = arith.muli %arg0, %mul3A : i32
    %add3A = vector.broadcast %mul3A_0 : i32 to vector<128x2048xi32>
    %add3A_1 = arith.addi %iota3A, %add3A : vector<128x2048xi32>
    %get3A = arith.constant 0 : index
    %get3A_2 = arith.constant 0 : index
    %get3A_3 = vector.load %arg2[%get3A, %get3A_2] : memref<2x2048xi32, #tpu.memory_space<vmem>>, vector<1x2048xi32>
    %eq3A = vector.broadcast %get3A_3 : vector<1x2048xi32> to vector<128x2048xi32>
    %eq3A_4 = arith.cmpi eq, %add3A_1, %eq3A : vector<128x2048xi32>
    %get3A_5 = arith.constant 1 : index
    %get3A_6 = arith.constant 0 : index
    %get3A_7 = vector.load %arg2[%get3A_5, %get3A_6] : memref<2x2048xi32, #tpu.memory_space<vmem>>, vector<1x2048xi32>
    %eq3A_8 = vector.broadcast %get3A_7 : vector<1x2048xi32> to vector<128x2048xi32>
    %eq3A_9 = arith.cmpi eq, %add3A_1, %eq3A_8 : vector<128x2048xi32>
    %or3A = arith.ori %eq3A_4, %eq3A_9 : vector<128x2048xi1>
    %convert_element_type3A = arith.extui %or3A : vector<128x2048xi1> to vector<128x2048xi32>
    %convert_element_type3A_10 = arith.sitofp %convert_element_type3A : vector<128x2048xi32> to vector<128x2048xf32>
    %convert_element_type3A_11 = arith.truncf %convert_element_type3A_10 : vector<128x2048xf32> to vector<128x2048xbf16>
    %get3A_12 = arith.constant 0 : index
    %get3A_13 = arith.constant 0 : index
    %get3A_14 = vector.load %arg3[%get3A_12, %get3A_13] : memref<2048x768xbf16, #tpu.memory_space<vmem>>, vector<2048x768xbf16>
    %dot_general3A = arith.constant dense<0.000000e+00> : vector<128x768xf32>
    %dot_general3A_15 = tpu.matmul %convert_element_type3A_11, %get3A_14, %dot_general3A {dimension_numbers = #tpu.dot_dimension_numbers<[1], [0], [0], [1], [0, 0, 1, 1], [], []>, transpose_lhs_hint = false} : vector<128x2048xbf16>, vector<2048x768xbf16>, vector<128x768xf32> -> vector<128x768xf32>
    %get3A_16 = arith.constant 0 : index
    %get3A_17 = arith.constant 0 : index
    %get3A_18 = arith.constant 0 : index
    %get3A_19 = vector.load %arg4[%get3A_16, %get3A_17, %get3A_18] : memref<1x768x3072xf32, #tpu.memory_space<vmem>>, vector<1x768x3072xf32>
    %get3A_20 = vector.shape_cast %get3A_19 : vector<1x768x3072xf32> to vector<768x3072xf32>
    %dot_general3A_21 = arith.constant dense<0.000000e+00> : vector<128x3072xf32>
    %dot_general3A_22 = tpu.matmul %dot_general3A_15, %get3A_20, %dot_general3A_21 {dimension_numbers = #tpu.dot_dimension_numbers<[1], [0], [0], [1], [0, 0, 1, 1], [], []>, transpose_lhs_hint = false} : vector<128x768xf32>, vector<768x3072xf32>, vector<128x3072xf32> -> vector<128x3072xf32>
    %get3A_23 = arith.constant 0 : index
    %get3A_24 = arith.constant 0 : index
    %get3A_25 = arith.constant 0 : index
    %get3A_26 = vector.load %arg5[%get3A_23, %get3A_24, %get3A_25] : memref<1x1x3072xf32, #tpu.memory_space<vmem>>, vector<1x1x3072xf32>
    %get3A_27 = vector.shape_cast %get3A_26 : vector<1x1x3072xf32> to vector<1x3072xf32>
    %add3A_28 = vector.broadcast %get3A_27 : vector<1x3072xf32> to vector<128x3072xf32>
    %add3A_29 = arith.addf %dot_general3A_22, %add3A_28 : vector<128x3072xf32>
    %get3A_30 = arith.constant 0 : index
    %get3A_31 = arith.constant 0 : index
    %get3A_32 = arith.constant 0 : index
    %get3A_33 = vector.load %arg6[%get3A_30, %get3A_31, %get3A_32] : memref<1x768x3072xf32, #tpu.memory_space<vmem>>, vector<1x768x3072xf32>
    %get3A_34 = vector.shape_cast %get3A_33 : vector<1x768x3072xf32> to vector<768x3072xf32>
    %dot_general3A_35 = arith.constant dense<0.000000e+00> : vector<128x3072xf32>
    %dot_general3A_36 = tpu.matmul %dot_general3A_15, %get3A_34, %dot_general3A_35 {dimension_numbers = #tpu.dot_dimension_numbers<[1], [0], [0], [1], [0, 0, 1, 1], [], []>, transpose_lhs_hint = false} : vector<128x768xf32>, vector<768x3072xf32>, vector<128x3072xf32> -> vector<128x3072xf32>
    %get3A_37 = arith.constant 0 : index
    %get3A_38 = arith.constant 0 : index
    %get3A_39 = arith.constant 0 : index
    %get3A_40 = vector.load %arg7[%get3A_37, %get3A_38, %get3A_39] : memref<1x1x3072xf32, #tpu.memory_space<vmem>>, vector<1x1x3072xf32>
    %get3A_41 = vector.shape_cast %get3A_40 : vector<1x1x3072xf32> to vector<1x3072xf32>
    %add3A_42 = vector.broadcast %get3A_41 : vector<1x3072xf32> to vector<128x3072xf32>
    %add3A_43 = arith.addf %dot_general3A_36, %add3A_42 : vector<128x3072xf32>
    %mul3A_44 = arith.constant 5.000000e-01 : f32
    %mul3A_45 = vector.broadcast %mul3A_44 : f32 to vector<128x3072xf32>
    %mul3A_46 = arith.mulf %mul3A_45, %add3A_29 : vector<128x3072xf32>
    %mul3A_47 = arith.constant 0.707106769 : f32
    %mul3A_48 = vector.broadcast %mul3A_47 : f32 to vector<128x3072xf32>
    %mul3A_49 = arith.mulf %add3A_29, %mul3A_48 : vector<128x3072xf32>
    %erf3A = math.erf %mul3A_49 : vector<128x3072xf32>
    %add3A_50 = arith.constant 1.000000e+00 : f32
    %add3A_51 = vector.broadcast %add3A_50 : f32 to vector<128x3072xf32>
    %add3A_52 = arith.addf %add3A_51, %erf3A : vector<128x3072xf32>
    %mul3A_53 = arith.mulf %mul3A_46, %add3A_52 : vector<128x3072xf32>
    %mul3A_54 = arith.mulf %mul3A_53, %add3A_43 : vector<128x3072xf32>
    %convert_element_type3A_55 = arith.truncf %mul3A_54 : vector<128x3072xf32> to vector<128x3072xbf16>
    %get3A_56 = arith.constant 0 : index
    %get3A_57 = arith.constant 0 : index
    %get3A_58 = arith.constant 0 : index
    %get3A_59 = vector.load %arg8[%get3A_56, %get3A_57, %get3A_58] : memref<1x3072x768xbf16, #tpu.memory_space<vmem>>, vector<1x3072x768xbf16>
    %get3A_60 = vector.shape_cast %get3A_59 : vector<1x3072x768xbf16> to vector<3072x768xbf16>
    %dot_general3A_61 = arith.constant dense<0.000000e+00> : vector<128x768xf32>
    %dot_general3A_62 = tpu.matmul %convert_element_type3A_55, %get3A_60, %dot_general3A_61 {dimension_numbers = #tpu.dot_dimension_numbers<[1], [0], [0], [1], [0, 0, 1, 1], [], []>, transpose_lhs_hint = false} : vector<128x3072xbf16>, vector<3072x768xbf16>, vector<128x768xf32> -> vector<128x768xf32>
    %get3A_63 = arith.constant 0 : index
    %get3A_64 = arith.constant 0 : index
    %get3A_65 = arith.constant 0 : index
    %get3A_66 = vector.load %arg9[%get3A_63, %get3A_64, %get3A_65] : memref<1x1x768xf32, #tpu.memory_space<vmem>>, vector<1x1x768xf32>
    %get3A_67 = vector.shape_cast %get3A_66 : vector<1x1x768xf32> to vector<1x768xf32>
    %add3A_68 = vector.broadcast %get3A_67 : vector<1x768xf32> to vector<128x768xf32>
    %add3A_69 = arith.addf %dot_general3A_62, %add3A_68 : vector<128x768xf32>
    %slice3A = vector.extract_strided_slice %add3A_69 {offsets = [0, 0], sizes = [128, 384], strides = [1, 1]} : vector<128x768xf32> to vector<128x384xf32>
    %slice3A_70 = vector.extract_strided_slice %add3A_69 {offsets = [0, 384], sizes = [128, 384], strides = [1, 1]} : vector<128x768xf32> to vector<128x384xf32>
    %bitcast_convert_type3A = tpu.bitcast %slice3A : vector<128x384xf32> -> vector<128x384xi32>
    %add3A_71 = arith.constant 32767 : i32
    %add3A_72 = vector.broadcast %add3A_71 : i32 to vector<128x384xi32>
    %add3A_73 = arith.addi %bitcast_convert_type3A, %add3A_72 : vector<128x384xi32>
    %shift_right_logical3A = arith.constant 16 : i32
    %shift_right_logical3A_74 = vector.broadcast %shift_right_logical3A : i32 to vector<128x384xi32>
    %shift_right_logical3A_75 = arith.shrui %bitcast_convert_type3A, %shift_right_logical3A_74 : vector<128x384xi32>
    %and3A = arith.constant 1 : i32
    %and3A_76 = vector.broadcast %and3A : i32 to vector<128x384xi32>
    %and3A_77 = arith.andi %shift_right_logical3A_75, %and3A_76 : vector<128x384xi32>
    %add3A_78 = arith.addi %add3A_73, %and3A_77 : vector<128x384xi32>
    %shift_right_logical3A_79 = arith.constant 16 : i32
    %shift_right_logical3A_80 = vector.broadcast %shift_right_logical3A_79 : i32 to vector<128x384xi32>
    %shift_right_logical3A_81 = arith.shrui %add3A_78, %shift_right_logical3A_80 : vector<128x384xi32>
    %bitcast_convert_type3A_82 = tpu.bitcast %slice3A_70 : vector<128x384xf32> -> vector<128x384xi32>
    %add3A_83 = arith.constant 32767 : i32
    %add3A_84 = vector.broadcast %add3A_83 : i32 to vector<128x384xi32>
    %add3A_85 = arith.addi %bitcast_convert_type3A_82, %add3A_84 : vector<128x384xi32>
    %shift_right_logical3A_86 = arith.constant 16 : i32
    %shift_right_logical3A_87 = vector.broadcast %shift_right_logical3A_86 : i32 to vector<128x384xi32>
    %shift_right_logical3A_88 = arith.shrui %bitcast_convert_type3A_82, %shift_right_logical3A_87 : vector<128x384xi32>
    %and3A_89 = arith.constant 1 : i32
    %and3A_90 = vector.broadcast %and3A_89 : i32 to vector<128x384xi32>
    %and3A_91 = arith.andi %shift_right_logical3A_88, %and3A_90 : vector<128x384xi32>
    %add3A_92 = arith.addi %add3A_85, %and3A_91 : vector<128x384xi32>
    %shift_right_logical3A_93 = arith.constant 16 : i32
    %shift_right_logical3A_94 = vector.broadcast %shift_right_logical3A_93 : i32 to vector<128x384xi32>
    %shift_right_logical3A_95 = arith.shrui %add3A_92, %shift_right_logical3A_94 : vector<128x384xi32>
    %shift_left3A = arith.constant 16 : i32
    %shift_left3A_96 = vector.broadcast %shift_left3A : i32 to vector<128x384xi32>
    %shift_left3A_97 = arith.shli %shift_right_logical3A_95, %shift_left3A_96 : vector<128x384xi32>
    %or3A_98 = arith.ori %shift_right_logical3A_81, %shift_left3A_97 : vector<128x384xi32>
    %bitcast_convert_type3A_99 = tpu.bitcast %or3A_98 : vector<128x384xi32> -> vector<128x384xf32>
    %swap3A = arith.constant 0 : index
    %swap3A_100 = arith.constant 0 : index
    %swap3A_101 = vector.load %arg10[%swap3A, %swap3A_100] : memref<128x384xf32, #tpu.memory_space<vmem>>, vector<128x384xf32>
    tpu.vector_store %arg10[%swap3A, %swap3A_100], %bitcast_convert_type3A_99 {strides = array<i32>} : memref<128x384xf32, #tpu.memory_space<vmem>>, vector<128x384xf32>,
    return
  }
  func.func @transform_0(%arg0: i32, %arg1: memref<40xi32, #tpu.memory_space<smem>>) -> (i32, i32) {
    %c0_i32 = arith.constant 0 : i32
    %c0_i32_0 = arith.constant 0 : i32
    %c0_i32_1 = arith.constant 0 : i32
    return %c0_i32, %c0_i32_0 : i32, i32
  }
  func.func @transform_1(%arg0: i32, %arg1: memref<40xi32, #tpu.memory_space<smem>>) -> (i32, i32) {
    %c0_i32 = arith.constant 0 : i32
    %c0_i32_0 = arith.constant 0 : i32
    %c0_i32_1 = arith.constant 0 : i32
    return %c0_i32, %c0_i32_0 : i32, i32
  }
  func.func @transform_2(%arg0: i32, %arg1: memref<40xi32, #tpu.memory_space<smem>>) -> (i32, i32, i32) {
    %get3A = arith.index_cast %arg0 : i32 to index
    %get3A_0 = memref.load %arg1[%get3A] : memref<40xi32, #tpu.memory_space<smem>>
    %c0_i32 = arith.constant 0 : i32
    %c0_i32_1 = arith.constant 0 : i32
    %c0_i32_2 = arith.constant 0 : i32
    return %get3A_0, %c0_i32, %c0_i32_1 : i32, i32, i32
  }
  func.func @transform_3(%arg0: i32, %arg1: memref<40xi32, #tpu.memory_space<smem>>) -> (i32, i32, i32) {
    %get3A = arith.index_cast %arg0 : i32 to index
    %get3A_0 = memref.load %arg1[%get3A] : memref<40xi32, #tpu.memory_space<smem>>
    %c0_i32 = arith.constant 0 : i32
    %c0_i32_1 = arith.constant 0 : i32
    %c0_i32_2 = arith.constant 0 : i32
    return %get3A_0, %c0_i32, %c0_i32_1 : i32, i32, i32
  }
  func.func @transform_4(%arg0: i32, %arg1: memref<40xi32, #tpu.memory_space<smem>>) -> (i32, i32, i32) {
    %get3A = arith.index_cast %arg0 : i32 to index
    %get3A_0 = memref.load %arg1[%get3A] : memref<40xi32, #tpu.memory_space<smem>>
    %c0_i32 = arith.constant 0 : i32
    %c0_i32_1 = arith.constant 0 : i32
    %c0_i32_2 = arith.constant 0 : i32
    return %get3A_0, %c0_i32, %c0_i32_1 : i32, i32, i32
  }
  func.func @transform_5(%arg0: i32, %arg1: memref<40xi32, #tpu.memory_space<smem>>) -> (i32, i32, i32) {
    %get3A = arith.index_cast %arg0 : i32 to index
    %get3A_0 = memref.load %arg1[%get3A] : memref<40xi32, #tpu.memory_space<smem>>
    %c0_i32 = arith.constant 0 : i32
    %c0_i32_1 = arith.constant 0 : i32
    %c0_i32_2 = arith.constant 0 : i32
    return %get3A_0, %c0_i32, %c0_i32_1 : i32, i32, i32
  }
  func.func @transform_6(%arg0: i32, %arg1: memref<40xi32, #tpu.memory_space<smem>>) -> (i32, i32, i32) {
    %get3A = arith.index_cast %arg0 : i32 to index
    %get3A_0 = memref.load %arg1[%get3A] : memref<40xi32, #tpu.memory_space<smem>>
    %c0_i32 = arith.constant 0 : i32
    %c0_i32_1 = arith.constant 0 : i32
    %c0_i32_2 = arith.constant 0 : i32
    return %get3A_0, %c0_i32, %c0_i32_1 : i32, i32, i32
  }
  func.func @transform_7(%arg0: i32, %arg1: memref<40xi32, #tpu.memory_space<smem>>) -> (i32, i32, i32) {
    %get3A = arith.index_cast %arg0 : i32 to index
    %get3A_0 = memref.load %arg1[%get3A] : memref<40xi32, #tpu.memory_space<smem>>
    %c0_i32 = arith.constant 0 : i32
    %c0_i32_1 = arith.constant 0 : i32
    %c0_i32_2 = arith.constant 0 : i32
    return %get3A_0, %c0_i32, %c0_i32_1 : i32, i32, i32
  }
  func.func @transform_8(%arg0: i32, %arg1: memref<40xi32, #tpu.memory_space<smem>>) -> (i32, i32) {
    %c0_i32 = arith.constant 0 : i32
    %c0_i32_0 = arith.constant 0 : i32
    return %arg0, %c0_i32 : i32, i32
  }
}

module attributes {stable_mosaic.version = 14 : i64} {
  func.func @_combine_body(%arg0: i32, %arg1: memref<512x768xf32, #tpu.memory_space<vmem>>, %arg2: memref<512x768xf32, #tpu.memory_space<vmem>>, %arg3: memref<512x1xf32, #tpu.memory_space<vmem>>, %arg4: memref<512x1xf32, #tpu.memory_space<vmem>>, %arg5: memref<512x768xf32, #tpu.memory_space<vmem>>) attributes {dimension_semantics = [#tpu.dimension_semantics<arbitrary>], iteration_bounds = array<i64: 4>, scalar_prefetch = 0 : i64, scratch_operands = 0 : i64, tpu.core_type = #tpu.core_type<tc>, window_params = [{transform_indices = @transform_0, window_bounds = array<i64: 512, 768>}, {transform_indices = @transform_1, window_bounds = array<i64: 512, 768>}, {transform_indices = @transform_2, window_bounds = array<i64: 512, 1>}, {transform_indices = @transform_3, window_bounds = array<i64: 512, 1>}, {transform_indices = @transform_4, window_bounds = array<i64: 512, 768>}]} {
    %get3A = arith.constant 0 : index
    %get3A_0 = arith.constant 0 : index
    %get3A_1 = vector.load %arg2[%get3A, %get3A_0] : memref<512x768xf32, #tpu.memory_space<vmem>>, vector<512x768xf32>
    %slice3A = vector.extract_strided_slice %get3A_1 {offsets = [0, 0], sizes = [512, 384], strides = [1, 1]} : vector<512x768xf32> to vector<512x384xf32>
    %bitcast_convert_type3A = tpu.bitcast %slice3A : vector<512x384xf32> -> vector<512x384xi32>
    %shift_left3A = arith.constant 16 : i32
    %shift_left3A_2 = vector.broadcast %shift_left3A : i32 to vector<512x384xi32>
    %shift_left3A_3 = arith.shli %bitcast_convert_type3A, %shift_left3A_2 : vector<512x384xi32>
    %bitcast_convert_type3A_4 = tpu.bitcast %shift_left3A_3 : vector<512x384xi32> -> vector<512x384xf32>
    %and3A = arith.constant -65536 : i32
    %and3A_5 = vector.broadcast %and3A : i32 to vector<512x384xi32>
    %and3A_6 = arith.andi %bitcast_convert_type3A, %and3A_5 : vector<512x384xi32>
    %bitcast_convert_type3A_7 = tpu.bitcast %and3A_6 : vector<512x384xi32> -> vector<512x384xf32>
    %slice3A_8 = vector.extract_strided_slice %get3A_1 {offsets = [0, 384], sizes = [512, 384], strides = [1, 1]} : vector<512x768xf32> to vector<512x384xf32>
    %bitcast_convert_type3A_9 = tpu.bitcast %slice3A_8 : vector<512x384xf32> -> vector<512x384xi32>
    %shift_left3A_10 = arith.constant 16 : i32
    %shift_left3A_11 = vector.broadcast %shift_left3A_10 : i32 to vector<512x384xi32>
    %shift_left3A_12 = arith.shli %bitcast_convert_type3A_9, %shift_left3A_11 : vector<512x384xi32>
    %bitcast_convert_type3A_13 = tpu.bitcast %shift_left3A_12 : vector<512x384xi32> -> vector<512x384xf32>
    %and3A_14 = arith.constant -65536 : i32
    %and3A_15 = vector.broadcast %and3A_14 : i32 to vector<512x384xi32>
    %and3A_16 = arith.andi %bitcast_convert_type3A_9, %and3A_15 : vector<512x384xi32>
    %bitcast_convert_type3A_17 = tpu.bitcast %and3A_16 : vector<512x384xi32> -> vector<512x384xf32>
    %concatenate3A = tpu.concatenate %bitcast_convert_type3A_4, %bitcast_convert_type3A_7 in 1 : vector<512x384xf32>, vector<512x384xf32> -> vector<512x768xf32>
    %concatenate3A_18 = tpu.concatenate %bitcast_convert_type3A_13, %bitcast_convert_type3A_17 in 1 : vector<512x384xf32>, vector<512x384xf32> -> vector<512x768xf32>
    %get3A_19 = arith.constant 0 : index
    %get3A_20 = arith.constant 0 : index
    %get3A_21 = vector.load %arg1[%get3A_19, %get3A_20] : memref<512x768xf32, #tpu.memory_space<vmem>>, vector<512x768xf32>
    %get3A_22 = arith.constant 0 : index
    %get3A_23 = arith.constant 0 : index
    %get3A_24 = vector.load %arg3[%get3A_22, %get3A_23] : memref<512x1xf32, #tpu.memory_space<vmem>>, vector<512x1xf32>
    %mul3A = vector.broadcast %get3A_24 : vector<512x1xf32> to vector<512x768xf32>
    %mul3A_25 = arith.mulf %mul3A, %concatenate3A : vector<512x768xf32>
    %add3A = arith.addf %get3A_21, %mul3A_25 : vector<512x768xf32>
    %get3A_26 = arith.constant 0 : index
    %get3A_27 = arith.constant 0 : index
    %get3A_28 = vector.load %arg4[%get3A_26, %get3A_27] : memref<512x1xf32, #tpu.memory_space<vmem>>, vector<512x1xf32>
    %mul3A_29 = vector.broadcast %get3A_28 : vector<512x1xf32> to vector<512x768xf32>
    %mul3A_30 = arith.mulf %mul3A_29, %concatenate3A_18 : vector<512x768xf32>
    %add3A_31 = arith.addf %add3A, %mul3A_30 : vector<512x768xf32>
    %swap3A = arith.constant 0 : index
    %swap3A_32 = arith.constant 0 : index
    %swap3A_33 = vector.load %arg5[%swap3A, %swap3A_32] : memref<512x768xf32, #tpu.memory_space<vmem>>, vector<512x768xf32>
    tpu.vector_store %arg5[%swap3A, %swap3A_32], %add3A_31 {strides = array<i32>} : memref<512x768xf32, #tpu.memory_space<vmem>>, vector<512x768xf32>,
    return
  }
  func.func @transform_0(%arg0: i32) -> (i32, i32) {
    %c0_i32 = arith.constant 0 : i32
    %c0_i32_0 = arith.constant 0 : i32
    return %arg0, %c0_i32 : i32, i32
  }
  func.func @transform_1(%arg0: i32) -> (i32, i32) {
    %c0_i32 = arith.constant 0 : i32
    %c0_i32_0 = arith.constant 0 : i32
    return %arg0, %c0_i32 : i32, i32
  }
  func.func @transform_2(%arg0: i32) -> (i32, i32) {
    %c0_i32 = arith.constant 0 : i32
    %c0_i32_0 = arith.constant 0 : i32
    return %arg0, %c0_i32 : i32, i32
  }
  func.func @transform_3(%arg0: i32) -> (i32, i32) {
    %c0_i32 = arith.constant 0 : i32
    %c0_i32_0 = arith.constant 0 : i32
    return %arg0, %c0_i32 : i32, i32
  }
  func.func @transform_4(%arg0: i32) -> (i32, i32) {
    %c0_i32 = arith.constant 0 : i32
    %c0_i32_0 = arith.constant 0 : i32
    return %arg0, %c0_i32 : i32, i32
  }
}

</mosaic_0001>

<sc_bundles>
// kernel: kernel.7.cloned.1.call-start
scs
__scs_entry_jumppad:
0x0: {  	(pc) =	sbr.rel $0x88, $3  }
0x1: {  	(tag) =	ssettag $0x0;
	lr =	simm.s32 $0x1  }
0x2: {  	[smem:$0x3F8D] =	sst lr;
	_ =	strace $0xD0000000  }
0x3: {  	_ = 	snop  }
0x4: {  	_ = 	snop  }
0x5: {  	_ = 	snop  }
0x6: {  	_ = 	snop  }
0x7: {  	_ = 	snop  }
__scs_overlays_trampoline_lowered:
0x8: {  	[smem:$0x3F9C] =	sst s0  }
0x9: {  	[smem:$0x3F9D] =	sst s1  }
0xa: {  	[smem:$0x3F9E] =	sst s2  }
0xb: {  	[smem:$0x3F9F] =	sst s3  }
0xc: {  	[smem:$0x3FA0] =	sst s4  }
0xd: {  	[smem:$0x3FA1] =	sst s5  }
0xe: {  	[smem:$0x3FA2] =	sst s6  }
0xf: {  	[smem:$0x3FA3] =	sst s7  }
0x10: {  	[smem:$0x3FA4] =	sst s8  }
0x11: {  	[smem:$0x3FA5] =	sst s9;
	s0 =	simm.s32 @!p0 $0x0  }
0x12: {  	s1 =	sld [smem:$0x3F8B];
	s0 =	simm.s32 @p0 $0x1  }
0x13: {  	[smem:$0x3FA6] =	sst s0;
	s0 =	simm.s32 @!p1 $0x0  }
0x14: {  	s2 =	sld [smem:$0x3F8A];
	s0 =	simm.s32 @p1 $0x1  }
0x15: {  	[smem:$0x3FA7] =	sst s0;
	s0 =	simm.s32 @!p2 $0x0  }
0x16: {  	s3 =	sld [smem:$0x3FDB];
	s0 =	simm.s32 @p2 $0x1  }
0x17: {  	s4 =	simm.s32 $0x1BF5;
	[smem:$0x3FA9] =	sst s0  }
0x18: {  	s0 =	sld [smem:$0x3F8C];
	_ =	swait.ge [sflag:s4], $0x0  }
0x19: {  	s7 =	sld [smem:$0x3F8D]  }
0x1a: {  	s8 =	sadd.s32 $0xFFFFE003, lr  }
0x1b: {  	s9 =	sadd.s32 $0xFFFFFEF7, lr;
	s5 =	simm.s32 $0xFFFFFFFF;
	p2 =	slt.u32 s8, $0xFFFFF086  }
0x1c: {  	p1 =	slt.u32 s9, $0xF7A;
	s5 =	simm.s32 @!p2 $0x0  }
0x1d: {  	s5 =	simm.s32 @p1 $0x1;
	p0 =	seq.s32 s7, s2  }
0x1e: {  	s7 =	smul.u32 @!p0 $0xF7A, s2;
	p2 =	seq.s32 @!p0 s5, $0x0  }
0x1f: {  	s9 =	smul.u32 $0xF7A, s1;
	s8 =	simm.s32 @!p0 $0x1BF5;
	p2 =	por !p2, p0  }
0x20: {  	[sflag:s8] =	ssyncset.s32 @!p0 $0xFFFFF086;
	s6 =	sadd.s32 @!p0 s3, s7;
	s7 =	simm.s32 @!p0 $0x108  }
0x21: {  	s3 =	sadd.s32 s3, s9;
	s6 =	sadd.s32 @!p0 $0x88, s6;
	s7 =	simm.s32 @p2 $0x1082  }
0x22: {  	[simem:s7], [sflag:s8] =	dma.local @!p0 [hbm:s6], $0xF7A  }
0x23: {  	s9 =	sor.u32 $0xD0000000, s2;
	s6 =	simm.s32 $0x108;
	_ =	swait.ge @!p0 [sflag:s8], $0x0  }
0x24: {  	s3 =	sadd.s32 $0x88, s3;
	s6 =	simm.s32 @!p1 $0x1082;
	[sflag:s4] =	ssyncset.s32 $0xFFFFF086  }
0x25: {  	[simem:s6], [sflag:s4] =	dma.local [hbm:s3], $0xF7A  }
0x26: {  	[smem:$0x3F8D] =	sst s1;
	(tag) =	ssettag s2;
	_ =	strace s9  }
0x27: {  	s1 =	sld [smem:$0x3F9D]  }
0x28: {  	s2 =	sld [smem:$0x3F9E]  }
0x29: {  	s4 =	sld [smem:$0x3FA0]  }
0x2a: {  	p0 =	seq.s32 s5, $0x0;
	s5 =	sld [smem:$0x3FA1]  }
0x2b: {  	s6 =	sld [smem:$0x3FA2]  }
0x2c: {  	s7 =	sld [smem:$0x3FA3]  }
0x2d: {  	s3 =	simm.s32 $0x108;
	s8 =	sld [smem:$0x3FA4]  }
0x2e: {  	s3 =	simm.s32 @!p0 $0x1082;
	s9 =	sld [smem:$0x3FA5]  }
0x2f: {  	lr =	sadd.s32 s0, s3;
	s0 =	sld [smem:$0x3F9C]  }
0x30: {  	s3 =	sld [smem:$0x3F9F]  }
0x31: {  	[smem:$0x3FA8] =	sst s10  }
0x32: {  	s10 =	sld [smem:$0x3FA6];
	_ =	sdelay $0x3  }
0x33: {  	p0 =	seq.s32 s10, $0x1;
	s10 =	sld [smem:$0x3FA8];
	_ =	sdelay $0x3  }
0x34: {  	[smem:$0x3FA8] =	sst s10  }
0x35: {  	s10 =	sld [smem:$0x3FA7];
	_ =	sdelay $0x3  }
0x36: {  	p1 =	seq.s32 s10, $0x1;
	s10 =	sld [smem:$0x3FA8];
	_ =	sdelay $0x3  }
0x37: {  	[smem:$0x3FA8] =	sst s10  }
0x38: {  	s10 =	sld [smem:$0x3FA9]  }
0x39: {  	_ = 	snop;
	(pc) =	sbr.ind lr, $3  }
0x3a: {  	_ = 	snop  }
0x3b: {  	_ = 	snop  }
0x3c: {  	p2 =	seq.s32 s10, $0x1;
	s10 =	sld [smem:$0x3FA8]  }
0x3d: {  	_ =	shalt  }
0x3e: {  	_ =	shalt  }
0x3f: {  	_ =	shalt  }
0x40: {  	_ =	shalt  }
0x41: {  	_ =	shalt  }
0x42: {  	_ =	shalt  }
0x43: {  	_ =	shalt  }
0x44: {  	_ =	shalt  }
0x45: {  	_ =	shalt  }
0x46: {  	_ =	shalt  }
0x47: {  	_ =	shalt  }
0x48: {  	_ =	shalt  }
0x49: {  	_ =	shalt  }
0x4a: {  	_ =	shalt  }
0x4b: {  	_ =	shalt  }
0x4c: {  	_ =	shalt  }
0x4d: {  	_ =	shalt  }
0x4e: {  	_ =	shalt  }
0x4f: {  	_ =	shalt  }
0x50: {  	_ =	shalt  }
0x51: {  	_ =	shalt  }
0x52: {  	_ =	shalt  }
0x53: {  	_ =	shalt  }
0x54: {  	_ =	shalt  }
0x55: {  	_ =	shalt  }
0x56: {  	_ =	shalt  }
0x57: {  	_ =	shalt  }
0x58: {  	_ =	shalt  }
0x59: {  	_ =	shalt  }
0x5a: {  	_ =	shalt  }
0x5b: {  	_ =	shalt  }
0x5c: {  	_ =	shalt  }
0x5d: {  	_ =	shalt  }
0x5e: {  	_ =	shalt  }
0x5f: {  	_ =	shalt  }
0x60: {  	_ =	shalt  }
0x61: {  	_ =	shalt  }
0x62: {  	_ =	shalt  }
0x63: {  	_ =	shalt  }
0x64: {  	_ =	shalt  }
0x65: {  	_ =	shalt  }
0x66: {  	_ =	shalt  }
0x67: {  	_ =	shalt  }
0x68: {  	_ =	shalt  }
0x69: {  	_ =	shalt  }
0x6a: {  	_ =	shalt  }
0x6b: {  	_ =	shalt  }
0x6c: {  	_ =	shalt  }
0x6d: {  	_ =	shalt  }
0x6e: {  	_ =	shalt  }
0x6f: {  	_ =	shalt  }
0x70: {  	_ =	shalt  }
0x71: {  	_ =	shalt  }
0x72: {  	_ =	shalt  }
0x73: {  	_ =	shalt  }
0x74: {  	_ =	shalt  }
0x75: {  	_ =	shalt  }
0x76: {  	_ =	shalt  }
0x77: {  	_ =	shalt  }
0x78: {  	_ =	shalt  }
0x79: {  	_ =	shalt  }
0x7a: {  	_ =	shalt  }
0x7b: {  	_ =	shalt  }
0x7c: {  	_ =	shalt  }
0x7d: {  	_ =	shalt  }
0x7e: {  	_ =	shalt  }
0x7f: {  	_ =	shalt  }
0x80: {  	_ =	shalt  }
0x81: {  	_ =	shalt  }
0x82: {  	_ =	shalt  }
0x83: {  	_ =	shalt  }
0x84: {  	_ =	shalt  }
0x85: {  	_ =	shalt  }
0x86: {  	_ =	shalt  }
0x87: {  	_ =	shalt  }
.Lfunc_end0:
.L_simem_size_0:
called_computation_lowered:
.L_overlay_start_0:
0x88: {  	s2 =	sld [smem:$0x3FD9]  }
0x89: {  	s3 =	sld [smem:$0x3FFE];
	_ =	sdelay $0x1  }
0x8a: {  	s1 =	srdreg.scid  }
0x8b: {  	s0 =	sand.u32 $0x1, s1  }
0x8c: {  	s16 =	sshll.u32 s0, $0xA;
	s2 =	sadd.s32 s3, s2  }
0x8d: {  	s2 =	sadd.s32 s2, s16  }
0x8e: {  	[smem:$0x3FB4] =	sst s2  }
0x8f: {  	_ = 	snop  }
0x90: {  	(tm) =	ssettm $0x1  }
0x91: {  	s17 =	sld [smem:$0x3FFB];
	_ =	sdelay $0x3  }
0x92: {  	_ =	strace s17  }
0x93: {  	s2 =	sld [smem:$0x3FFC];
	_ =	sdelay $0x3  }
0x94: {  	_ =	strace s2  }
0x95: {  	s2 =	sld [smem:$0x3FFD];
	_ =	sdelay $0x3  }
0x96: {  	_ =	strace s2  }
0x97: {  	_ =	strace $0x8FFFFFFF  }
0x98: {  	s18 =	sld [smem:$0x3FDB];
	_ =	sdelay $0x1  }
0x99: {  	s19 =	simm.s32 $_scs_section_size  }
0x9a: {  	s4 =	simm.s32 $_size__tile_overlayer_lowered;
	s5 =	simm.s32 $_tile_overlayer_lowered  }
0x9b: {  	s22 =	simm.s32 $0x1BFF;
	s21 =	sshll.u32 s5, $0x1;
	s2 =	sadd.s32 s19, s18  }
0x9c: {  	s6 =	simm.s32 $0x0;
	s20 =	sshll.u32 s4, $0x1;
	s4 =	sadd.s32 s21, s2  }
0x9d: {  	[timem:s6], [sflag:s22] =	dma.local [hbm:s4], s20  }
0x9e: {  	_ =	swait.ge [sflag:s22], s20  }
0x9f: {  	s3 =	ssub.s32 $0x0, s20;
	[sflag:s22] =	ssyncset.done $0x0  }
0xa0: {  	[sflag:s22] =	ssyncadd.s32 s3;
	_ =	sdelay $0x1  }
0xa1: {  	s23 =	simm.s32 $0x1B8B  }
0xa2: {  	_ =	swait.ge [sflag:s23], $0x1  }
0xa3: {  	[sflag:s23] =	ssyncset.done $0x0  }
0xa4: {  	s25 =	simm.s32 $0x1B8E;
	s24 =	sld [smem:$0x3FFE];
	[sflag:s23] =	ssyncadd.s32 $0xFFFFFFFF  }
0xa5: {  	s26 =	simm.s32 $execute0_lowered;
	[smem:$0x3FD2] =	sst s25  }
0xa6: {  	s4 =	sshll.u32 s26, $0x1;
	_ =	strace $0x80000046;
	[dreg:$0x1] =	wrdreg $0xFFFFFFFF  }
0xa7: {  	s28 =	simm.s32 $_size_execute0_lowered;
	s2 =	sadd.s32 s2, s4;
	[dreg:$0x0] =	wrdreg $0x0  }
0xa8: {  	s4 =	sshll.u32 s28, $0x1;
	[dreg:$0x2] =	wrdreg s2  }
0xa9: {  	[dreg:$0x3] =	wrdreg s4  }
0xaa: {  	[dreg:$0x4] =	wrdreg $0xC0  }
0xab: {  	_ =	task [dreg:s6], $0x5FFFF  }
0xac: {  	[dreg:$0x1] =	wrdreg $0xFFFFFFFF  }
0xad: {  	[dreg:$0x0] =	wrdreg $0x60  }
0xae: {  	[dreg:$0x2] =	wrdreg s24  }
0xaf: {  	[dreg:$0x3] =	wrdreg $0x9  }
0xb0: {  	_ =	task.clear_ibuf [dreg:s6], $0x4FFFF;
	_ =	strace $0x90000046  }
0xb1: {  	s29 =	simm.s32 $0x9;
	_ =	strace $0x80000048  }
0xb2: {  	_ =	swait.ge [sflag:s29], $0x1  }
0xb3: {  	[sflag:s29] =	ssyncadd.s32 $0xFFFFFFFF  }
0xb4: {  	_ =	strace $0x90000048  }
0xb5: {  	_ =	sfence  }
0xb6: {  	s30 =	sld [smem:$0x0];
	_ =	sdelay $0x2  }
0xb7: {  	s31 =	sshll.u32 s1, $0xD;
	s1 =	sshrl.u32 s1, $0x2  }
0xb8: {  	s3 =	sand.u32 $0x4000, s31;
	s1 =	sadd.s32 s1, s30  }
0xb9: {  	s0 =	sor.u32 s3, s0;
	s1 =	sshll.u32 s1, $0x11  }
0xba: {  	s0 =	sor.u32 s1, s0  }
0xbb: {  	s0 =	sadd.s32 $0x8F2B, s0  }
0xbc: {  	[sflag:s0] =	ssyncadd.remote.s32 $0x1  }
0xbd: {  	_ =	sfence.sel $0xFFFF  }
0xbe: {  	[dreg:$0x0] =	wrdreg $0xFFFFFFFF;
	(pc) =	sbr.abs _section_cstart, $3  }
0xbf: {  	[dreg:$0x1] =	wrdreg $0xFFFFFFFF  }
0xc0: {  	_ =	task.clear_ibuf [dreg:s6], $0x2FFFF;
	_ =	strace $0x9FFFFFFF  }
0xc1: {  	(tm) =	ssettm $0x7FFFFFFF  }
tec
execute0_lowered:
.L_overlay_start_1:
0x0: {  	(tag) =	ssettag $0x1  }
0x1: {  	s6 =	rddreg [dreg:$0x0]  }
0x2: {  	s0 =	rddreg [dreg:$0x1]  }
0x3: {  	s3 =	srdreg.scid;
	s2 =	simm.s32 $0x0;
	s1 =	stileid.u32  }
0x4: {  	s12 =	simm.s32 $0x80;
	s13 =	simm.s32 $0x880;
	s14 =	simm.s32 $0xC80  }
0x5: {  	s15 =	simm.s32 $0x1480;
	s16 =	simm.s32 $0x1880;
	s17 =	simm.s32 $0x2080  }
0x6: {  	s18 =	simm.s32 $0x2480;
	s19 =	simm.s32 $0x2C80;
	s20 =	simm.s32 $0x3080  }
0x7: {  	s21 =	simm.s32 $0x3880;
	s22 =	simm.s32 $0x3C80;
	s23 =	simm.s32 $0x4480  }
0x8: {  	s24 =	simm.s32 $0x4880;
	s25 =	simm.s32 $0x5080;
	s28 =	simm.s32 $0x5C80  }
0x9: {  	s29 =	simm.s32 $0x1;
	s30 =	simm.s32 $0x2;
	s4 =	sand.u32 $0x1, s3  }
0xa: {  	[smem:$0x7FF] =	sst s2;
	s26 =	sshll.u32 s1, $0x5;
	s5 =	sshll.u32 s4, $0x4  }
0xb: {  	s3 =	sadd.s32 $0x152A00, s6;
	s10 =	sadd.s32 $0x32800, s6;
	s5 =	sor.u32 s5, s26  }
0xc: {  	_ =	strace $0x80000047;
	s4 =	ssub.s32 $0x2, s4;
	s7 =	smul.u32 $0xC00, s5  }
0xd: {  	s9 =	sshrl.u32 s4, $0x1;
	s8 =	sadd.s32 s5, s6;
	s5 =	smul.u32 $0x180, s5  }
0xe: {  	s26 =	simm.s32 $0x5480;
	s11 =	ssub.s32 s4, s9;
	s6 =	sadd.s32 $0x152B00, s6  }
0xf: {  	v2 =	vlaneseq.u32;
	s4 =	sadd.s32 $0x32600, s8;
	s7 =	sshrl.u32 s7, $0x3;
	s5 =	sadd.s32 s10, s5  }
0x10: {  	vm0 =	vmmov $0xffff;
	vm1 =	vmmov $0xff;
	v1 =	vshrl.u32 v2, $0x3;
	s31 =	sadd.s32 s10, s7;
	s7 =	sadd.s32 $0x600, s5;
	s10 =	smax.u32 s11, $0x1  }
0x11: {  	v0 =	vand.u32 $0x7, v2;
	v2 =	vor.u32 $0x8, v2;
	v1 =	vmul.u32 $0x8, v1;
	s11 =	simm.s32 $0x3;
	s8 =	sadd.s32 $0xC00, s31;
	s9 =	sadd.s32 $0x1200, s31  }
.LBB2_1:
0x12: {  	[tilespmem:s2], [sflag:$0x3] =	stream.linear.gather [hbm4b:s4+s2], $0x80, $0x38;
	[tilespmem:$0x6080] =	vst v63  }
0x13: {  	_ =	swait.ge [sflag:s11], $0x80  }
0x14: {  	[sflag:s11] =	ssyncset.done $0x0  }
0x15: {  	[sflag:s11] =	ssyncadd.s32 $0xFFFFFF80  }
0x16: {  	v3 =	vld [tilespmem:$0x0];
	_ =	sdelay $0x4  }
0x17: {  	v4 =	vshrl.u32 v3, $0x3  }
0x18: {  	v4 =	vmul.u32 $0x18, v4  }
0x19: {  	v3 =	vand.u32 $0x7, v3  }
0x1a: {  	v3 =	vor.u32 v3, v4  }
0x1b: {  	v4 =	vperm.xlane v3, v0;
	_ =	sdelay $0x1  }
0x1c: {  	v4 =	vadd.s32 v1, v4;
	_ =	sdelay $0x1  }
0x1d: {  	v3 =	vperm.xlane v3, v2;
	_ =	sdelay $0x1  }
0x1e: {  	v3 =	vadd.s32 v1, v3  }
0x1f: {  	[tilespmem:s12], [sflag:$0x1] =	stream.indirect_vreg.gather [hbm4b:s3+s2], $0x80, v4, vm0, $0xb8;
	[tilespmem:$0x6080] =	vst v63  }
0x20: {  	_ = 	snop  }
0x21: {  	[tilespmem:s13], [sflag:$0x1] =	stream.indirect_vreg.gather [hbm4b:s6+s2], $0x80, v4, vm1, $0xb8;
	[tilespmem:$0x6080] =	vst v63  }
0x22: {  	_ = 	snop  }
0x23: {  	[tilespmem:s14], [sflag:$0x1] =	stream.indirect_vreg.gather [hbm4b:s3+s2], $0x80, v3, vm0, $0xb8;
	[tilespmem:$0x6080] =	vst v63  }
0x24: {  	_ = 	snop  }
0x25: {  	[tilespmem:s15], [sflag:$0x1] =	stream.indirect_vreg.gather [hbm4b:s6+s2], $0x80, v3, vm1, $0xb8;
	[tilespmem:$0x6080] =	vst v63  }
0x26: {  	v3 =	vld [tilespmem:$0x10];
	_ =	sdelay $0x4  }
0x27: {  	v57 =	vshrl.u32 v3, $0x3  }
0x28: {  	v4 =	vmul.u32 $0x18, v57  }
0x29: {  	v3 =	vand.u32 $0x7, v3  }
0x2a: {  	v3 =	vor.u32 v3, v4  }
0x2b: {  	v4 =	vperm.xlane v3, v0;
	_ =	sdelay $0x1  }
0x2c: {  	v4 =	vadd.s32 v1, v4;
	_ =	sdelay $0x1  }
0x2d: {  	v3 =	vperm.xlane v3, v2;
	_ =	sdelay $0x1  }
0x2e: {  	v3 =	vadd.s32 v1, v3  }
0x2f: {  	[tilespmem:s16], [sflag:$0x1] =	stream.indirect_vreg.gather [hbm4b:s3+s2], $0x80, v4, vm0, $0xb8;
	[tilespmem:$0x6080] =	vst v63  }
0x30: {  	_ = 	snop  }
0x31: {  	[tilespmem:s17], [sflag:$0x1] =	stream.indirect_vreg.gather [hbm4b:s6+s2], $0x80, v4, vm1, $0xb8;
	[tilespmem:$0x6080] =	vst v63  }
0x32: {  	_ = 	snop  }
0x33: {  	[tilespmem:s18], [sflag:$0x1] =	stream.indirect_vreg.gather [hbm4b:s3+s2], $0x80, v3, vm0, $0xb8;
	[tilespmem:$0x6080] =	vst v63  }
0x34: {  	_ = 	snop  }
0x35: {  	[tilespmem:s19], [sflag:$0x1] =	stream.indirect_vreg.gather [hbm4b:s6+s2], $0x80, v3, vm1, $0xb8;
	[tilespmem:$0x6080] =	vst v63  }
0x36: {  	v3 =	vld [tilespmem:$0x20];
	_ =	sdelay $0x4  }
0x37: {  	v58 =	vshrl.u32 v3, $0x3  }
0x38: {  	v4 =	vmul.u32 $0x18, v58  }
0x39: {  	v3 =	vand.u32 $0x7, v3  }
0x3a: {  	v3 =	vor.u32 v3, v4  }
0x3b: {  	v4 =	vperm.xlane v3, v0;
	_ =	sdelay $0x1  }
0x3c: {  	v4 =	vadd.s32 v1, v4;
	_ =	sdelay $0x1  }
0x3d: {  	v3 =	vperm.xlane v3, v2;
	_ =	sdelay $0x1  }
0x3e: {  	v3 =	vadd.s32 v1, v3  }
0x3f: {  	[tilespmem:s20], [sflag:$0x2] =	stream.indirect_vreg.gather [hbm4b:s3+s2], $0x80, v4, vm0, $0xb8;
	[tilespmem:$0x6080] =	vst v63  }
0x40: {  	_ = 	snop  }
0x41: {  	[tilespmem:s21], [sflag:$0x2] =	stream.indirect_vreg.gather [hbm4b:s6+s2], $0x80, v4, vm1, $0xb8;
	[tilespmem:$0x6080] =	vst v63  }
0x42: {  	_ = 	snop  }
0x43: {  	[tilespmem:s22], [sflag:$0x2] =	stream.indirect_vreg.gather [hbm4b:s3+s2], $0x80, v3, vm0, $0xb8;
	[tilespmem:$0x6080] =	vst v63  }
0x44: {  	_ = 	snop  }
0x45: {  	[tilespmem:s23], [sflag:$0x2] =	stream.indirect_vreg.gather [hbm4b:s6+s2], $0x80, v3, vm1, $0xb8;
	[tilespmem:$0x6080] =	vst v63  }
0x46: {  	v3 =	vld [tilespmem:$0x30];
	_ =	sdelay $0x4  }
0x47: {  	v59 =	vshrl.u32 v3, $0x3  }
0x48: {  	v4 =	vmul.u32 $0x18, v59  }
0x49: {  	v3 =	vand.u32 $0x7, v3  }
0x4a: {  	v3 =	vor.u32 v3, v4  }
0x4b: {  	v4 =	vperm.xlane v3, v0;
	_ =	sdelay $0x1  }
0x4c: {  	v4 =	vadd.s32 v1, v4;
	_ =	sdelay $0x1  }
0x4d: {  	v3 =	vperm.xlane v3, v2;
	_ =	sdelay $0x1  }
0x4e: {  	v3 =	vadd.s32 v1, v3  }
0x4f: {  	[tilespmem:s24], [sflag:$0x2] =	stream.indirect_vreg.gather [hbm4b:s3+s2], $0x80, v4, vm0, $0xb8;
	[tilespmem:$0x6080] =	vst v63  }
0x50: {  	_ = 	snop  }
0x51: {  	[tilespmem:s25], [sflag:$0x2] =	stream.indirect_vreg.gather [hbm4b:s6+s2], $0x80, v4, vm1, $0xb8;
	[tilespmem:$0x6080] =	vst v63  }
0x52: {  	_ = 	snop  }
0x53: {  	[tilespmem:s26], [sflag:$0x2] =	stream.indirect_vreg.gather [hbm4b:s3+s2], $0x80, v3, vm0, $0xb8;
	[tilespmem:$0x6080] =	vst v63  }
0x54: {  	_ = 	snop  }
0x55: {  	[tilespmem:s28], [sflag:$0x2] =	stream.indirect_vreg.gather [hbm4b:s6+s2], $0x80, v3, vm1, $0xb8;
	[tilespmem:$0x6080] =	vst v63  }
0x56: {  	_ =	swait.ge [sflag:s29], $0x3000  }
0x57: {  	[sflag:s29] =	ssyncset.done $0x0  }
0x58: {  	[sflag:s29] =	ssyncadd.s32 $0xFFFFD000  }
0x59: {  	[hbm4b:s5+s2] =	stream.linear.scatter [tilespmem:s12], [sflag:$0x3], $0x3000, $0x38;
	[tilespmem:$0x6080] =	vst v63  }
0x5a: {  	_ =	swait.ge [sflag:s11], $0x3000  }
0x5b: {  	[sflag:s11] =	ssyncset.done $0x0  }
0x5c: {  	[sflag:s11] =	ssyncadd.s32 $0xFFFFD000  }
0x5d: {  	v3 =	vld [tilespmem:$0x40];
	_ =	sdelay $0x4  }
0x5e: {  	v60 =	vshrl.u32 v3, $0x3  }
0x5f: {  	v4 =	vmul.u32 $0x18, v60  }
0x60: {  	v3 =	vand.u32 $0x7, v3  }
0x61: {  	v3 =	vor.u32 v3, v4  }
0x62: {  	v4 =	vperm.xlane v3, v0;
	_ =	sdelay $0x1  }
0x63: {  	v4 =	vadd.s32 v1, v4;
	_ =	sdelay $0x1  }
0x64: {  	v3 =	vperm.xlane v3, v2;
	_ =	sdelay $0x1  }
0x65: {  	v3 =	vadd.s32 v1, v3  }
0x66: {  	[tilespmem:s12], [sflag:$0x1] =	stream.indirect_vreg.gather [hbm4b:s3+s2], $0x80, v4, vm0, $0xb8;
	[tilespmem:$0x6080] =	vst v63  }
0x67: {  	_ = 	snop  }
0x68: {  	[tilespmem:s13], [sflag:$0x1] =	stream.indirect_vreg.gather [hbm4b:s6+s2], $0x80, v4, vm1, $0xb8;
	[tilespmem:$0x6080] =	vst v63  }
0x69: {  	_ = 	snop  }
0x6a: {  	[tilespmem:s14], [sflag:$0x1] =	stream.indirect_vreg.gather [hbm4b:s3+s2], $0x80, v3, vm0, $0xb8;
	[tilespmem:$0x6080] =	vst v63  }
0x6b: {  	_ = 	snop  }
0x6c: {  	[tilespmem:s15], [sflag:$0x1] =	stream.indirect_vreg.gather [hbm4b:s6+s2], $0x80, v3, vm1, $0xb8;
	[tilespmem:$0x6080] =	vst v63  }
0x6d: {  	v3 =	vld [tilespmem:$0x50];
	_ =	sdelay $0x4  }
0x6e: {  	v61 =	vshrl.u32 v3, $0x3  }
0x6f: {  	v4 =	vmul.u32 $0x18, v61  }
0x70: {  	v3 =	vand.u32 $0x7, v3  }
0x71: {  	v3 =	vor.u32 v3, v4  }
0x72: {  	v4 =	vperm.xlane v3, v0;
	_ =	sdelay $0x1  }
0x73: {  	v4 =	vadd.s32 v1, v4;
	_ =	sdelay $0x1  }
0x74: {  	v3 =	vperm.xlane v3, v2;
	_ =	sdelay $0x1  }
0x75: {  	v3 =	vadd.s32 v1, v3  }
0x76: {  	[tilespmem:s16], [sflag:$0x1] =	stream.indirect_vreg.gather [hbm4b:s3+s2], $0x80, v4, vm0, $0xb8;
	[tilespmem:$0x6080] =	vst v63  }
0x77: {  	_ = 	snop  }
0x78: {  	[tilespmem:s17], [sflag:$0x1] =	stream.indirect_vreg.gather [hbm4b:s6+s2], $0x80, v4, vm1, $0xb8;
	[tilespmem:$0x6080] =	vst v63  }
0x79: {  	_ = 	snop  }
0x7a: {  	[tilespmem:s18], [sflag:$0x1] =	stream.indirect_vreg.gather [hbm4b:s3+s2], $0x80, v3, vm0, $0xb8;
	[tilespmem:$0x6080] =	vst v63  }
0x7b: {  	_ = 	snop  }
0x7c: {  	[tilespmem:s19], [sflag:$0x1] =	stream.indirect_vreg.gather [hbm4b:s6+s2], $0x80, v3, vm1, $0xb8;
	[tilespmem:$0x6080] =	vst v63  }
0x7d: {  	_ =	swait.ge [sflag:s30], $0x3000  }
0x7e: {  	[sflag:s30] =	ssyncset.done $0x0  }
0x7f: {  	[sflag:s30] =	ssyncadd.s32 $0xFFFFD000  }
0x80: {  	[hbm4b:s7+s2] =	stream.linear.scatter [tilespmem:s20], [sflag:$0x3], $0x3000, $0x38;
	[tilespmem:$0x6080] =	vst v63  }
0x81: {  	_ =	swait.ge [sflag:s11], $0x3000  }
0x82: {  	[sflag:s11] =	ssyncset.done $0x0  }
0x83: {  	[sflag:s11] =	ssyncadd.s32 $0xFFFFD000  }
0x84: {  	v3 =	vld [tilespmem:$0x60];
	_ =	sdelay $0x4  }
0x85: {  	v62 =	vshrl.u32 v3, $0x3  }
0x86: {  	v4 =	vmul.u32 $0x18, v62  }
0x87: {  	v3 =	vand.u32 $0x7, v3  }
0x88: {  	v3 =	vor.u32 v3, v4  }
0x89: {  	v4 =	vperm.xlane v3, v0;
	_ =	sdelay $0x1  }
0x8a: {  	v4 =	vadd.s32 v1, v4;
	_ =	sdelay $0x1  }
0x8b: {  	v3 =	vperm.xlane v3, v2;
	_ =	sdelay $0x1  }
0x8c: {  	v3 =	vadd.s32 v1, v3  }
0x8d: {  	[tilespmem:s20], [sflag:$0x2] =	stream.indirect_vreg.gather [hbm4b:s3+s2], $0x80, v4, vm0, $0xb8;
	[tilespmem:$0x6080] =	vst v63  }
0x8e: {  	_ = 	snop  }
0x8f: {  	[tilespmem:s21], [sflag:$0x2] =	stream.indirect_vreg.gather [hbm4b:s6+s2], $0x80, v4, vm1, $0xb8;
	[tilespmem:$0x6080] =	vst v63  }
0x90: {  	_ = 	snop  }
0x91: {  	[tilespmem:s22], [sflag:$0x2] =	stream.indirect_vreg.gather [hbm4b:s3+s2], $0x80, v3, vm0, $0xb8;
	[tilespmem:$0x6080] =	vst v63  }
0x92: {  	_ = 	snop  }
0x93: {  	[tilespmem:s23], [sflag:$0x2] =	stream.indirect_vreg.gather [hbm4b:s6+s2], $0x80, v3, vm1, $0xb8;
	[tilespmem:$0x6080] =	vst v63  }
0x94: {  	v3 =	vld [tilespmem:$0x70];
	_ =	sdelay $0x4  }
0x95: {  	v63 =	vshrl.u32 v3, $0x3  }
0x96: {  	v4 =	vmul.u32 $0x18, v63  }
0x97: {  	v3 =	vand.u32 $0x7, v3  }
0x98: {  	v3 =	vor.u32 v3, v4  }
0x99: {  	v4 =	vperm.xlane v3, v0;
	_ =	sdelay $0x1  }
0x9a: {  	v4 =	vadd.s32 v1, v4;
	_ =	sdelay $0x1  }
0x9b: {  	v3 =	vperm.xlane v3, v2;
	_ =	sdelay $0x1  }
0x9c: {  	v3 =	vadd.s32 v1, v3  }
0x9d: {  	[tilespmem:s24], [sflag:$0x2] =	stream.indirect_vreg.gather [hbm4b:s3+s2], $0x80, v4, vm0, $0xb8;
	[tilespmem:$0x6080] =	vst v63  }
0x9e: {  	_ = 	snop  }
0x9f: {  	[tilespmem:s25], [sflag:$0x2] =	stream.indirect_vreg.gather [hbm4b:s6+s2], $0x80, v4, vm1, $0xb8;
	[tilespmem:$0x6080] =	vst v63  }
0xa0: {  	_ = 	snop  }
0xa1: {  	[tilespmem:s26], [sflag:$0x2] =	stream.indirect_vreg.gather [hbm4b:s3+s2], $0x80, v3, vm0, $0xb8;
	[tilespmem:$0x6080] =	vst v63  }
0xa2: {  	_ = 	snop  }
0xa3: {  	[tilespmem:s28], [sflag:$0x2] =	stream.indirect_vreg.gather [hbm4b:s6+s2], $0x80, v3, vm1, $0xb8;
	[tilespmem:$0x6080] =	vst v63  }
0xa4: {  	_ =	swait.ge [sflag:s29], $0x3000  }
0xa5: {  	[sflag:s29] =	ssyncset.done $0x0  }
0xa6: {  	[sflag:s29] =	ssyncadd.s32 $0xFFFFD000  }
0xa7: {  	[hbm4b:s8+s2] =	stream.linear.scatter [tilespmem:s12], [sflag:$0x3], $0x3000, $0x38;
	[tilespmem:$0x6080] =	vst v63  }
0xa8: {  	_ =	swait.ge [sflag:s11], $0x3000  }
0xa9: {  	[sflag:s11] =	ssyncset.done $0x0  }
0xaa: {  	[sflag:s11] =	ssyncadd.s32 $0xFFFFD000  }
0xab: {  	_ =	swait.ge [sflag:s30], $0x3000  }
0xac: {  	p0 =	sne.s32 s10, $0x1;
	[sflag:s30] =	ssyncset.done $0x0  }
.Ltmp0:
0xad: {  	[sflag:s30] =	ssyncadd.s32 $0xFFFFD000;
	(pc) =	sbr.rel @p0 .LBB2_1-.Ltmp0, $4  }
0xae: {  	[hbm4b:s9+s2] =	stream.linear.scatter [tilespmem:s20], [sflag:$0x3], $0x3000, $0x38;
	[tilespmem:$0x6080] =	vst v63  }
0xaf: {  	_ =	swait.ge [sflag:s11], $0x3000  }
0xb0: {  	[sflag:s11] =	ssyncset.done $0x0  }
0xb1: {  	s10 =	sadd.s32 $0xFFFFFFFF, s10;
	[sflag:s11] =	ssyncadd.s32 $0xFFFFD000  }
0xb2: {  	_ =	sfence.sel $0x180000  }
0xb3: {  	[bflag:$0x0] =	sbarrier.arrive $0xFFFF  }
0xb4: {  	p0 =	sne.s32 s1, $0x0;
	_ =	strace $0x90000047  }
0xb5: {  	s0 =	sadd.s32 @!p0 $0x100000, s0;
	[bflag:$0x2] =	sbarrier.arrive $0xFFFF  }
0xb6: {  	[sflag:s0] =	ssyncadd.tile.s32 @!p0 $0x1;
	_ =	shalt  }
.Lfunc_end2:
_tile_overlayer_lowered:
.L_overlay_start_2:
0xb7: {  	(tag) =	ssettag $0x2  }
0xb8: {  	s0 =	rddreg [dreg:$0x0];
	s2 =	stileid.u32  }
0xb9: {  	s1 =	rddreg [dreg:$0x1];
	p0 =	sne.s32 s2, $0x0  }
0xba: {  	s3 =	rddreg [dreg:$0x2];
	[bflag:$0x3] =	sbarrier.arrive $0xFFFF;
	s2 =	simm.s32 @!p0 $0x1C03  }
0xbb: {  	[timem:s3], [sflag:s2] =	dma.local @!p0 [hbm:s0], s1  }
0xbc: {  	s0 =	simm.s32 @!p0 $0x3  }
0xbd: {  	_ =	swait.ge @!p0 [sflag:s0], s1  }
0xbe: {  	s1 =	ssub.s32 @!p0 $0x0, s1;
	[sflag:s0] =	ssyncset.done @!p0 $0x0  }
0xbf: {  	[sflag:s0] =	ssyncadd.s32 @!p0 s1  }
0xc0: {  	[bflag:$0x3] =	sbarrier.arrive $0xFFFF  }
0xc1: {  	_ =	shalt  }

</sc_bundles>
